<compile_context>
chip_gen: v7x
topology: tpu7x:2x2x1
jax: 0.10.2.dev20260603
libtpu: 0.0.44.dev20260713+nightly
codegen_flags: <defaults>
</compile_context>

<pallas_src>
import functools

import jax
import jax.numpy as jnp
from jax import lax
from jax.experimental import pallas as pl
from jax.experimental.pallas import tpu as pltpu
from jax.experimental.pallas import tpu_sc as plsc

B, S, D = 8, 512, 768
NC, NS, L = 2, 16, 16
NW = NC * NS
PW = 128
CPP = PW // L
DSC = 512
DTC = D - DSC
PPB = DSC // PW
SH = S // 2
UNROLL = 8


def _exp_poly(x):
    e = 1.0 / 5040.0 + x * (1.0 / 40320.0)
    e = 1.0 / 720.0 + x * e
    e = 1.0 / 120.0 + x * e
    e = 1.0 / 24.0 + x * e
    e = 1.0 / 6.0 + x * e
    e = 0.5 + x * e
    e = 1.0 + x * e
    return 1.0 + x * e


def _sc_body(h_hbm, t_hbm, p_hbm, out_hbm,
             p_v, t_v, r_v, hb_v, sin0, sin1, sout0, sout1):
    wid = lax.axis_index("s") * NC + lax.axis_index("c")
    b = wid // PPB
    d0 = (wid % PPB) * PW

    srcs = [h_hbm.at[b, pl.ds(k * SH, SH), pl.ds(d0, PW)] for k in (0, 1)]
    dsts = [out_hbm.at[b, pl.ds(k * SH, SH), pl.ds(d0, PW)] for k in (0, 1)]
    sins = [sin0, sin1]
    souts = [sout0, sout1]

    for k in (0, 1):
        pltpu.async_copy(srcs[k], hb_v.at[k], sins[k])

    pltpu.sync_copy(p_hbm, p_v)
    pltpu.sync_copy(t_hbm.at[b], t_v)

    zeros_i = jnp.zeros((L,), jnp.int32)
    iota = lax.iota(jnp.int32, L)
    eps_v = plsc.load_gather(p_v, [zeros_i + 1])
    beta_v = plsc.load_gather(p_v, [zeros_i + 2])

    def build(c, _):
        idx = c * L + iota
        prev = jnp.where(idx > 0, idx - 1, 0)
        dt = t_v[pl.ds(c * L, L)] - plsc.load_gather(t_v, [prev])
        r_v[pl.ds(c * L, L)] = _exp_poly(beta_v * dt)
        return 0
    lax.fori_loop(0, S // L, build, 0)

    zf = jnp.zeros((L,), jnp.float32)

    def half(k, carry):
        hb = hb_v.at[k]

        @pl.when(k == 0)
        def _():
            pltpu.make_async_copy(srcs[0], hb_v.at[0], sins[0]).wait()

        @pl.when(k == 1)
        def _():
            pltpu.make_async_copy(srcs[1], hb_v.at[1], sins[1]).wait()

        def row(s, c):
            rv = plsc.load_gather(
                r_v, [jnp.full((L,), k * SH + s, jnp.int32)])
            hvs = [hb[s, pl.ds(ci * L, L)] for ci in range(CPP)]
            a1s = [c[2 * ci] + hvs[ci] for ci in range(CPP)]
            rps = [jnp.maximum(hvs[ci], 0.0) for ci in range(CPP)]
            eps_rps = [eps_v * rps[ci] for ci in range(CPP)]
            ra2s = [rv * c[2 * ci + 1] for ci in range(CPP)]
            a2s = [ra2s[ci] + eps_rps[ci] for ci in range(CPP)]
            for ci in range(CPP):
                hb[s, pl.ds(ci * L, L)] = a1s[ci] + a2s[ci]
            return tuple(x for ci in range(CPP) for x in (a1s[ci], a2s[ci]))
        carry = plsc.parallel_loop(0, SH, step=1, unroll=UNROLL,
                                   carry=carry)(row)

        @pl.when(k == 0)
        def _():
            pltpu.async_copy(hb_v.at[0], dsts[0], souts[0])

        @pl.when(k == 1)
        def _():
            pltpu.async_copy(hb_v.at[1], dsts[1], souts[1])
        return carry

    lax.fori_loop(0, 2, half, (zf,) * (2 * CPP))

    pltpu.make_async_copy(hb_v.at[0], dsts[0], souts[0]).wait()
    pltpu.make_async_copy(hb_v.at[1], dsts[1], souts[1]).wait()


def _tc_body(tcol_ref, p_ref, h_ref, out_ref):
    eps = p_ref[0, 0]
    beta = p_ref[0, 1]
    tcol = tcol_ref[0]
    dt = tcol - tcol[0:1, :]
    wd = jnp.exp(-beta * dt)
    wg = eps * jnp.exp(beta * dt)
    hb = h_ref[0]
    z = jnp.concatenate([hb, wd * jnp.maximum(hb, 0.0)], axis=1)
    k = 1
    while k < S:
        z = z + jnp.concatenate(
            [jnp.zeros((k, 2 * DTC), z.dtype), z[:-k]], axis=0)
        k *= 2
    out_ref[0] = z[:, :DTC] + wg * z[:, DTC:]


@jax.jit
def _heat(h, t, params):
    mesh = plsc.VectorSubcoreMesh(core_axis_name="c", subcore_axis_name="s")
    sc = functools.partial(
        pl.kernel,
        out_type=jax.ShapeDtypeStruct((B, S, D), jnp.float32),
        mesh=mesh,
        scratch_types=[
            pltpu.VMEM((L,), jnp.float32),
            pltpu.VMEM((S,), jnp.float32),
            pltpu.VMEM((S,), jnp.float32),
            pltpu.VMEM((2, SH, PW), jnp.float32),
            pltpu.SemaphoreType.DMA,
            pltpu.SemaphoreType.DMA,
            pltpu.SemaphoreType.DMA,
            pltpu.SemaphoreType.DMA,
        ],
        compiler_params=pltpu.CompilerParams(
            use_tc_tiling_on_sc=True, needs_layout_passes=False,
            skip_device_barrier=True),
    )(_sc_body)
    sc_full = sc(h, t, params)

    tc_out = pl.pallas_call(
        _tc_body,
        grid=(B,),
        in_specs=[
            pl.BlockSpec((1, S, 1), lambda b: (b, 0, 0)),
            pl.BlockSpec(memory_space=pltpu.SMEM),
            pl.BlockSpec((1, S, DTC), lambda b: (b, 0, DSC // DTC)),
        ],
        out_specs=pl.BlockSpec((1, S, DTC), lambda b: (b, 0, 0)),
        out_shape=jax.ShapeDtypeStruct((B, S, DTC), jnp.float32),
    )(t[:, :, None], params[None, 1:3], h)

    return lax.dynamic_update_slice(sc_full, tc_out, (0, 0, DSC))


def kernel(h, t, epsilon, beta):
    params = jnp.zeros((L,), jnp.float32)
    params = params.at[1].set(epsilon).at[2].set(beta)
    return _heat(h.astype(jnp.float32), t.astype(jnp.float32), params)

# --- scband reference (transcript-rebuilt; emitter-appended) ---
"""Pipeline reference for scband-heat-layer-69638599737397 (READ-ONLY COPY).

The authoritative reference and input builder live on the scoring server;
editing this copy changes nothing except your own understanding.
"""

import jax, jax.numpy as jnp
import numpy as np

B, S, D = 8, 512, 768

def setup_inputs(seed: int = 0) -> dict:
    key = jax.random.key(seed)
    k1, k2 = jax.random.split(key)
    h = jax.random.normal(k1, (B, S, D), dtype=jnp.float32)
    # timestamps: sorted ascending, distinct within each sequence (epoch time, days)
    t = jnp.arange(B * S, dtype=jnp.float32).reshape(B, S)
    # learned scalar parameters of HeatLayer (epsilon, beta priors)
    epsilon = jnp.array(0.01, dtype=jnp.float32)
    beta = jnp.array(0.001, dtype=jnp.float32)
    return {"h": h, "t": t, "epsilon": epsilon, "beta": beta}

def reference(h, t, epsilon, beta):
    # Faithful vectorization of apply_heat_on_matrix_representations with
    # defaults: temporal_direction='past', exclude_current_post=False,
    # allow_negative_decay=False, sum_decay_with_original=True,
    # background_intensity='default', no padding present.
    # tau[b, i, j] = t_i - t_j ; past posts are those with tau >= 0
    tau = t[:, :, None] - t[:, None, :]               # [B, S, S]
    mask = (tau >= 0).astype(h.dtype)                 # [B, S, S]
    decay = epsilon * jnp.exp(beta * tau) * mask      # [B, S, S]
    non_neg_h = jnp.maximum(h, 0.0)                   # relu(historical_x)
    # aggregated_i = sum_{j: tau_ij>=0} ( h_j + relu(h_j) * epsilon*exp(beta*tau_ij) )
    out = jnp.einsum('bij,bjd->bid', mask, h) + jnp.einsum('bij,bjd->bid', decay, non_neg_h)
    return out

if __name__ == "__main__":
    import jax
    _d = setup_inputs()
    print(jax.jit(kernel)(*tuple(_d.values())))

</pallas_src>

<mosaic_0001>
#map = affine_map<(d0, d1) -> (0, 0, 0)>
#map1 = affine_map<(d0, d1) -> (0, 0)>
#map2 = affine_map<(d0, d1) -> (0)>
module attributes {stable_mosaic.version = 14 : i64} {
  func.func @_sc_body(%arg0: i32, %arg1: i32, %arg2: memref<8x512x768xf32, #tpu.memory_space<hbm>>, %arg3: memref<8x512xf32, #tpu.memory_space<hbm>>, %arg4: memref<16xf32, #tpu.memory_space<hbm>>, %arg5: memref<8x512x768xf32, #tpu.memory_space<hbm>>, %arg6: memref<16xf32, #tpu.memory_space<vmem>>, %arg7: memref<512xf32, #tpu.memory_space<vmem>>, %arg8: memref<512xf32, #tpu.memory_space<vmem>>, %arg9: memref<2x256x128xf32, #tpu.memory_space<vmem>>, %arg10: memref<!tpu.dma_semaphore, #tpu.memory_space<semaphore_mem>>, %arg11: memref<!tpu.dma_semaphore, #tpu.memory_space<semaphore_mem>>, %arg12: memref<!tpu.dma_semaphore, #tpu.memory_space<semaphore_mem>>, %arg13: memref<!tpu.dma_semaphore, #tpu.memory_space<semaphore_mem>>) attributes {dimension_semantics = [#tpu.dimension_semantics<core_parallel>, #tpu.dimension_semantics<subcore_parallel>], iteration_bounds = array<i64: 2, 16>, scalar_prefetch = 0 : i64, scratch_operands = 8 : i64, tpu.core_type = #tpu.core_type<sc_vector_subcore>, window_params = [{transform_indices = #map}, {transform_indices = #map1}, {transform_indices = #map2}, {transform_indices = #map}]} {
    %mul3A = arith.constant 2 : i32
    %mul3A_0 = arith.muli %arg1, %mul3A : i32
    %add3A = arith.addi %mul3A_0, %arg0 : i32
    %jit3A = arith.constant 4 : i32
    %div3A = arith.divsi %add3A, %jit3A : i32
    %sign3A = arith.constant 0 : i32
    %sign3A_1 = arith.cmpi sgt, %add3A, %sign3A : i32
    %sign3A_2 = arith.extui %sign3A_1 : i1 to i32
    %sign3A_3 = arith.constant 0 : i32
    %sign3A_4 = arith.cmpi slt, %add3A, %sign3A_3 : i32
    %sign3A_5 = arith.extui %sign3A_4 : i1 to i32
    %sign3A_6 = arith.subi %sign3A_2, %sign3A_5 : i32
    %sign3A_7 = arith.constant 0 : i32
    %sign3A_8 = arith.cmpi sgt, %jit3A, %sign3A_7 : i32
    %sign3A_9 = arith.extui %sign3A_8 : i1 to i32
    %sign3A_10 = arith.constant 0 : i32
    %sign3A_11 = arith.cmpi slt, %jit3A, %sign3A_10 : i32
    %sign3A_12 = arith.extui %sign3A_11 : i1 to i32
    %sign3A_13 = arith.subi %sign3A_9, %sign3A_12 : i32
    %ne3A = arith.cmpi ne, %sign3A_6, %sign3A_13 : i32
    %rem3A = arith.remsi %add3A, %jit3A : i32
    %ne3A_14 = arith.constant 0 : i32
    %ne3A_15 = arith.cmpi ne, %rem3A, %ne3A_14 : i32
    %and3A = arith.andi %ne3A, %ne3A_15 : i1
    %sub3A = arith.constant 1 : i32
    %sub3A_16 = arith.subi %div3A, %sub3A : i32
    %select_n3A = arith.select %and3A, %sub3A_16, %div3A : i32
    %jit3A_17 = arith.constant 4 : i32
    %eq3A = arith.constant 0 : i32
    %eq3A_18 = arith.cmpi eq, %jit3A_17, %eq3A : i32
    %jit3A_19 = arith.constant 1 : i32
    %select_n3A_20 = arith.select %eq3A_18, %jit3A_19, %jit3A_17 : i32
    %rem3A_21 = arith.remsi %add3A, %select_n3A_20 : i32
    %ne3A_22 = arith.constant 0 : i32
    %ne3A_23 = arith.cmpi ne, %rem3A_21, %ne3A_22 : i32
    %lt3A = arith.constant 0 : i32
    %lt3A_24 = arith.cmpi slt, %rem3A_21, %lt3A : i32
    %lt3A_25 = arith.constant 0 : i32
    %lt3A_26 = arith.cmpi slt, %select_n3A_20, %lt3A_25 : i32
    %ne3A_27 = arith.xori %lt3A_24, %lt3A_26 : i1
    %and3A_28 = arith.andi %ne3A_27, %ne3A_23 : i1
    %add3A_29 = arith.addi %rem3A_21, %select_n3A_20 : i32
    %select_n3A_30 = arith.select %and3A_28, %add3A_29, %rem3A_21 : i32
    %mul3A_31 = arith.constant 128 : i32
    %mul3A_32 = arith.muli %select_n3A_30, %mul3A_31 : i32
    %dma_start3A = arith.constant 0 : i32
    %dma_start3A_33 = arith.constant 0 : i32
    %dma_start3A_34 = arith.constant 0 : i32
    %dma_start3A_35 = tpu.memref_slice %arg9[%dma_start3A, %dma_start3A_33, %dma_start3A_34] : memref<2x256x128xf32, #tpu.memory_space<vmem>> -> memref<1x256x128xf32, #tpu.memory_space<vmem>>
    %dma_start3A_36 = tpu.memref_squeeze %dma_start3A_35 : memref<1x256x128xf32, #tpu.memory_space<vmem>> -> memref<256x128xf32, #tpu.memory_space<vmem>>
    %dma_start3A_37 = arith.constant 0 : i32
    %dma_start3A_38 = tpu.memref_slice %arg2[%select_n3A, %dma_start3A_37, %mul3A_32] : memref<8x512x768xf32, #tpu.memory_space<hbm>> -> memref<1x256x128xf32, #tpu.memory_space<hbm>>
    %dma_start3A_39 = tpu.memref_squeeze %dma_start3A_38 : memref<1x256x128xf32, #tpu.memory_space<hbm>> -> memref<256x128xf32, #tpu.memory_space<hbm>>
    %dma_start3A_40 = arith.constant 0 : i32
    %dma_start3A_41 = arith.constant 0 : i32
    %dma_start3A_42 = tpu.memref_slice %arg9[%dma_start3A, %dma_start3A_40, %dma_start3A_41] : memref<2x256x128xf32, #tpu.memory_space<vmem>> -> memref<1x256x128xf32, #tpu.memory_space<vmem>>
    %dma_start3A_43 = tpu.memref_squeeze %dma_start3A_42 : memref<1x256x128xf32, #tpu.memory_space<vmem>> -> memref<256x128xf32, #tpu.memory_space<vmem>>
    %dma_start3A_44 = arith.constant 0 : i32
    %dma_start3A_45 = tpu.memref_slice %arg2[%select_n3A, %dma_start3A_44, %mul3A_32] : memref<8x512x768xf32, #tpu.memory_space<hbm>> -> memref<1x256x128xf32, #tpu.memory_space<hbm>>
    %dma_start3A_46 = tpu.memref_squeeze %dma_start3A_45 : memref<1x256x128xf32, #tpu.memory_space<hbm>> -> memref<256x128xf32, #tpu.memory_space<hbm>>
    tpu.enqueue_dma source(%dma_start3A_46 : memref<256x128xf32, #tpu.memory_space<hbm>>) target(%dma_start3A_43 : memref<256x128xf32, #tpu.memory_space<vmem>>) target_semaphore(%arg10 : memref<!tpu.dma_semaphore, #tpu.memory_space<semaphore_mem>>)
    %dma_start3A_47 = arith.constant 1 : i32
    %dma_start3A_48 = arith.constant 0 : i32
    %dma_start3A_49 = arith.constant 0 : i32
    %dma_start3A_50 = tpu.memref_slice %arg9[%dma_start3A_47, %dma_start3A_48, %dma_start3A_49] : memref<2x256x128xf32, #tpu.memory_space<vmem>> -> memref<1x256x128xf32, #tpu.memory_space<vmem>>
    %dma_start3A_51 = tpu.memref_squeeze %dma_start3A_50 : memref<1x256x128xf32, #tpu.memory_space<vmem>> -> memref<256x128xf32, #tpu.memory_space<vmem>>
    %dma_start3A_52 = arith.constant 256 : i32
    %dma_start3A_53 = tpu.memref_slice %arg2[%select_n3A, %dma_start3A_52, %mul3A_32] : memref<8x512x768xf32, #tpu.memory_space<hbm>> -> memref<1x256x128xf32, #tpu.memory_space<hbm>>
    %dma_start3A_54 = tpu.memref_squeeze %dma_start3A_53 : memref<1x256x128xf32, #tpu.memory_space<hbm>> -> memref<256x128xf32, #tpu.memory_space<hbm>>
    %dma_start3A_55 = arith.constant 0 : i32
    %dma_start3A_56 = arith.constant 0 : i32
    %dma_start3A_57 = tpu.memref_slice %arg9[%dma_start3A_47, %dma_start3A_55, %dma_start3A_56] : memref<2x256x128xf32, #tpu.memory_space<vmem>> -> memref<1x256x128xf32, #tpu.memory_space<vmem>>
    %dma_start3A_58 = tpu.memref_squeeze %dma_start3A_57 : memref<1x256x128xf32, #tpu.memory_space<vmem>> -> memref<256x128xf32, #tpu.memory_space<vmem>>
    %dma_start3A_59 = arith.constant 256 : i32
    %dma_start3A_60 = tpu.memref_slice %arg2[%select_n3A, %dma_start3A_59, %mul3A_32] : memref<8x512x768xf32, #tpu.memory_space<hbm>> -> memref<1x256x128xf32, #tpu.memory_space<hbm>>
    %dma_start3A_61 = tpu.memref_squeeze %dma_start3A_60 : memref<1x256x128xf32, #tpu.memory_space<hbm>> -> memref<256x128xf32, #tpu.memory_space<hbm>>
    tpu.enqueue_dma source(%dma_start3A_61 : memref<256x128xf32, #tpu.memory_space<hbm>>) target(%dma_start3A_58 : memref<256x128xf32, #tpu.memory_space<vmem>>) target_semaphore(%arg11 : memref<!tpu.dma_semaphore, #tpu.memory_space<semaphore_mem>>)
    "tpu.region"() ({
      %run_scoped3A = tpu.sem_alloc : memref<!tpu.dma_semaphore, #tpu.memory_space<semaphore_mem>>
      tpu.enqueue_dma source(%arg4 : memref<16xf32, #tpu.memory_space<hbm>>) target(%arg6 : memref<16xf32, #tpu.memory_space<vmem>>) target_semaphore(%run_scoped3A : memref<!tpu.dma_semaphore, #tpu.memory_space<semaphore_mem>>)
      tpu.wait_dma2 semaphore(%run_scoped3A : memref<!tpu.dma_semaphore, #tpu.memory_space<semaphore_mem>>) src(%arg4 : memref<16xf32, #tpu.memory_space<hbm>>) dst(%arg6 : memref<16xf32, #tpu.memory_space<vmem>>)
      tpu.yield
    }) : () -> ()
    "tpu.region"() ({
      %run_scoped3A = tpu.sem_alloc : memref<!tpu.dma_semaphore, #tpu.memory_space<semaphore_mem>>
      %dma_start3A_113 = arith.constant 0 : i32
      %dma_start3A_114 = tpu.memref_slice %arg3[%select_n3A, %dma_start3A_113] : memref<8x512xf32, #tpu.memory_space<hbm>> -> memref<1x512xf32, #tpu.memory_space<hbm>>
      %dma_start3A_115 = tpu.memref_squeeze %dma_start3A_114 : memref<1x512xf32, #tpu.memory_space<hbm>> -> memref<512xf32, #tpu.memory_space<hbm>>
      %dma_start3A_116 = arith.constant 0 : i32
      %dma_start3A_117 = tpu.memref_slice %arg3[%select_n3A, %dma_start3A_116] : memref<8x512xf32, #tpu.memory_space<hbm>> -> memref<1x512xf32, #tpu.memory_space<hbm>>
      %dma_start3A_118 = tpu.memref_squeeze %dma_start3A_117 : memref<1x512xf32, #tpu.memory_space<hbm>> -> memref<512xf32, #tpu.memory_space<hbm>>
      tpu.enqueue_dma source(%dma_start3A_118 : memref<512xf32, #tpu.memory_space<hbm>>) target(%arg7 : memref<512xf32, #tpu.memory_space<vmem>>) target_semaphore(%run_scoped3A : memref<!tpu.dma_semaphore, #tpu.memory_space<semaphore_mem>>)
      %dma_wait3A_119 = arith.constant 0 : i32
      %dma_wait3A_120 = tpu.memref_slice %arg3[%select_n3A, %dma_wait3A_119] : memref<8x512xf32, #tpu.memory_space<hbm>> -> memref<1x512xf32, #tpu.memory_space<hbm>>
      %dma_wait3A_121 = tpu.memref_squeeze %dma_wait3A_120 : memref<1x512xf32, #tpu.memory_space<hbm>> -> memref<512xf32, #tpu.memory_space<hbm>>
      %dma_wait3A_122 = arith.constant 0 : i32
      %dma_wait3A_123 = tpu.memref_slice %arg3[%select_n3A, %dma_wait3A_122] : memref<8x512xf32, #tpu.memory_space<hbm>> -> memref<1x512xf32, #tpu.memory_space<hbm>>
      %dma_wait3A_124 = tpu.memref_squeeze %dma_wait3A_123 : memref<1x512xf32, #tpu.memory_space<hbm>> -> memref<512xf32, #tpu.memory_space<hbm>>
      tpu.wait_dma2 semaphore(%run_scoped3A : memref<!tpu.dma_semaphore, #tpu.memory_space<semaphore_mem>>) src(%dma_wait3A_124 : memref<512xf32, #tpu.memory_space<hbm>>) dst(%arg7 : memref<512xf32, #tpu.memory_space<vmem>>)
      tpu.yield
    }) : () -> ()
    %broadcast_in_dim3A = arith.constant 0 : i32
    %broadcast_in_dim3A_62 = vector.broadcast %broadcast_in_dim3A : i32 to vector<16xi32>
    %iota3A = tpu.iota {dimensions = array<i32: 0>} : vector<16xi32>
    %add3A_63 = arith.constant 1 : i32
    %add3A_64 = vector.broadcast %add3A_63 : i32 to vector<16xi32>
    %add3A_65 = arith.addi %broadcast_in_dim3A_62, %add3A_64 : vector<16xi32>
    %gather3A = tpu.vector_load_idx %arg6[%add3A_65] : memref<16xf32, #tpu.memory_space<vmem>>[vector<16xi32>], vector<16xf32>,
    %add3A_66 = arith.constant 2 : i32
    %add3A_67 = vector.broadcast %add3A_66 : i32 to vector<16xi32>
    %add3A_68 = arith.addi %broadcast_in_dim3A_62, %add3A_67 : vector<16xi32>
    %gather3A_69 = tpu.vector_load_idx %arg6[%add3A_68] : memref<16xf32, #tpu.memory_space<vmem>>[vector<16xi32>], vector<16xf32>,
    %scan3A = arith.constant 0 : i32
    %scan3A_70 = arith.constant 0 : i32
    %scan3A_71 = arith.constant 32 : i32
    %scan3A_72 = arith.addi %scan3A_70, %scan3A_71 : i32
    %scan3A_73 = arith.constant 1 : i32
    %scan3A_74 = scf.for %scan3A_113 = %scan3A_70 to %scan3A_72 step %scan3A_73 iter_args(%scan3A_114 = %scan3A) -> (i32)  : i32 {
      %mul3A_115 = arith.constant 16 : i32
      %mul3A_116 = arith.muli %scan3A_113, %mul3A_115 : i32
      %add3A_117 = vector.broadcast %mul3A_116 : i32 to vector<16xi32>
      %add3A_118 = arith.addi %add3A_117, %iota3A : vector<16xi32>
      %gt3A = arith.constant 0 : i32
      %gt3A_119 = vector.broadcast %gt3A : i32 to vector<16xi32>
      %gt3A_120 = arith.cmpi sgt, %add3A_118, %gt3A_119 : vector<16xi32>
      %sub3A_121 = arith.constant 1 : i32
      %sub3A_122 = vector.broadcast %sub3A_121 : i32 to vector<16xi32>
      %sub3A_123 = arith.subi %add3A_118, %sub3A_122 : vector<16xi32>
      %jit3A_124 = arith.constant 0 : i32
      %broadcast_in_dim3A_125 = vector.broadcast %jit3A_124 : i32 to vector<16xi32>
      %select_n3A_126 = arith.select %gt3A_120, %sub3A_123, %broadcast_in_dim3A_125 : vector<16xi1>, vector<16xi32>
      %mul3A_127 = arith.constant 16 : i32
      %mul3A_128 = arith.muli %scan3A_113, %mul3A_127 : i32
      %get3A = arith.index_cast %mul3A_128 : i32 to index
      %get3A_129 = tpu.vector_load %arg7[%get3A] {strides = array<i32>} : memref<512xf32, #tpu.memory_space<vmem>>, vector<16xf32>,
      %gather3A_130 = tpu.vector_load_idx %arg7[%select_n3A_126] : memref<512xf32, #tpu.memory_space<vmem>>[vector<16xi32>], vector<16xf32>,
      %sub3A_131 = arith.subf %get3A_129, %gather3A_130 : vector<16xf32>
      %mul3A_132 = arith.mulf %gather3A_69, %sub3A_131 : vector<16xf32>
      %mul3A_133 = arith.constant 2.48015876E-5 : f32
      %mul3A_134 = vector.broadcast %mul3A_133 : f32 to vector<16xf32>
      %mul3A_135 = arith.mulf %mul3A_132, %mul3A_134 : vector<16xf32>
      %add3A_136 = arith.constant 1.98412701E-4 : f32
      %add3A_137 = vector.broadcast %add3A_136 : f32 to vector<16xf32>
      %add3A_138 = arith.addf %add3A_137, %mul3A_135 : vector<16xf32>
      %mul3A_139 = arith.mulf %mul3A_132, %add3A_138 : vector<16xf32>
      %add3A_140 = arith.constant 0.00138888892 : f32
      %add3A_141 = vector.broadcast %add3A_140 : f32 to vector<16xf32>
      %add3A_142 = arith.addf %add3A_141, %mul3A_139 : vector<16xf32>
      %mul3A_143 = arith.mulf %mul3A_132, %add3A_142 : vector<16xf32>
      %add3A_144 = arith.constant 0.00833333377 : f32
      %add3A_145 = vector.broadcast %add3A_144 : f32 to vector<16xf32>
      %add3A_146 = arith.addf %add3A_145, %mul3A_143 : vector<16xf32>
      %mul3A_147 = arith.mulf %mul3A_132, %add3A_146 : vector<16xf32>
      %add3A_148 = arith.constant 0.0416666679 : f32
      %add3A_149 = vector.broadcast %add3A_148 : f32 to vector<16xf32>
      %add3A_150 = arith.addf %add3A_149, %mul3A_147 : vector<16xf32>
      %mul3A_151 = arith.mulf %mul3A_132, %add3A_150 : vector<16xf32>
      %add3A_152 = arith.constant 0.166666672 : f32
      %add3A_153 = vector.broadcast %add3A_152 : f32 to vector<16xf32>
      %add3A_154 = arith.addf %add3A_153, %mul3A_151 : vector<16xf32>
      %mul3A_155 = arith.mulf %mul3A_132, %add3A_154 : vector<16xf32>
      %add3A_156 = arith.constant 5.000000e-01 : f32
      %add3A_157 = vector.broadcast %add3A_156 : f32 to vector<16xf32>
      %add3A_158 = arith.addf %add3A_157, %mul3A_155 : vector<16xf32>
      %mul3A_159 = arith.mulf %mul3A_132, %add3A_158 : vector<16xf32>
      %add3A_160 = arith.constant 1.000000e+00 : f32
      %add3A_161 = vector.broadcast %add3A_160 : f32 to vector<16xf32>
      %add3A_162 = arith.addf %add3A_161, %mul3A_159 : vector<16xf32>
      %mul3A_163 = arith.mulf %mul3A_132, %add3A_162 : vector<16xf32>
      %add3A_164 = arith.constant 1.000000e+00 : f32
      %add3A_165 = vector.broadcast %add3A_164 : f32 to vector<16xf32>
      %add3A_166 = arith.addf %add3A_165, %mul3A_163 : vector<16xf32>
      %mul3A_167 = arith.constant 16 : i32
      %mul3A_168 = arith.muli %scan3A_113, %mul3A_167 : i32
      %swap3A = arith.index_cast %mul3A_168 : i32 to index
      %swap3A_169 = tpu.vector_load %arg8[%swap3A] {strides = array<i32>} : memref<512xf32, #tpu.memory_space<vmem>>, vector<16xf32>,
      tpu.vector_store %arg8[%swap3A], %add3A_166 {strides = array<i32>} : memref<512xf32, #tpu.memory_space<vmem>>, vector<16xf32>,
      %scan3A_170 = arith.constant 0 : i32
      scf.yield %scan3A_170 : i32
    }
    %scan3A_75 = arith.constant 32 : i32
    %broadcast_in_dim3A_76 = arith.constant 0.000000e+00 : f32
    %broadcast_in_dim3A_77 = vector.broadcast %broadcast_in_dim3A_76 : f32 to vector<16xf32>
    %scan3A_78 = arith.constant 0 : i32
    %scan3A_79 = arith.constant 2 : i32
    %scan3A_80 = arith.addi %scan3A_78, %scan3A_79 : i32
    %scan3A_81 = arith.constant 1 : i32
    %scan3A_82:16 = scf.for %scan3A_113 = %scan3A_78 to %scan3A_80 step %scan3A_81 iter_args(%scan3A_114 = %broadcast_in_dim3A_77, %scan3A_115 = %broadcast_in_dim3A_77, %scan3A_116 = %broadcast_in_dim3A_77, %scan3A_117 = %broadcast_in_dim3A_77, %scan3A_118 = %broadcast_in_dim3A_77, %scan3A_119 = %broadcast_in_dim3A_77, %scan3A_120 = %broadcast_in_dim3A_77, %scan3A_121 = %broadcast_in_dim3A_77, %scan3A_122 = %broadcast_in_dim3A_77, %scan3A_123 = %broadcast_in_dim3A_77, %scan3A_124 = %broadcast_in_dim3A_77, %scan3A_125 = %broadcast_in_dim3A_77, %scan3A_126 = %broadcast_in_dim3A_77, %scan3A_127 = %broadcast_in_dim3A_77, %scan3A_128 = %broadcast_in_dim3A_77, %scan3A_129 = %broadcast_in_dim3A_77) -> (vector<16xf32>, vector<16xf32>, vector<16xf32>, vector<16xf32>, vector<16xf32>, vector<16xf32>, vector<16xf32>, vector<16xf32>, vector<16xf32>, vector<16xf32>, vector<16xf32>, vector<16xf32>, vector<16xf32>, vector<16xf32>, vector<16xf32>, vector<16xf32>)  : i32 {
      %eq3A_130 = arith.constant 0 : i32
      %eq3A_131 = arith.cmpi eq, %scan3A_113, %eq3A_130 : i32
      %convert_element_type3A = arith.extui %eq3A_131 : i1 to i32
      %cond3A = arith.constant 0 : i32
      %cond3A_132 = arith.cmpi ne, %convert_element_type3A, %cond3A : i32
      scf.if %cond3A_132 {
        %dma_wait3A_151 = arith.constant 0 : i32
        %dma_wait3A_152 = arith.constant 0 : i32
        %dma_wait3A_153 = arith.constant 0 : i32
        %dma_wait3A_154 = tpu.memref_slice %arg9[%dma_wait3A_151, %dma_wait3A_152, %dma_wait3A_153] : memref<2x256x128xf32, #tpu.memory_space<vmem>> -> memref<1x256x128xf32, #tpu.memory_space<vmem>>
        %dma_wait3A_155 = tpu.memref_squeeze %dma_wait3A_154 : memref<1x256x128xf32, #tpu.memory_space<vmem>> -> memref<256x128xf32, #tpu.memory_space<vmem>>
        %dma_wait3A_156 = arith.constant 0 : i32
        %dma_wait3A_157 = tpu.memref_slice %arg2[%select_n3A, %dma_wait3A_156, %mul3A_32] : memref<8x512x768xf32, #tpu.memory_space<hbm>> -> memref<1x256x128xf32, #tpu.memory_space<hbm>>
        %dma_wait3A_158 = tpu.memref_squeeze %dma_wait3A_157 : memref<1x256x128xf32, #tpu.memory_space<hbm>> -> memref<256x128xf32, #tpu.memory_space<hbm>>
        %dma_wait3A_159 = arith.constant 0 : i32
        %dma_wait3A_160 = arith.constant 0 : i32
        %dma_wait3A_161 = tpu.memref_slice %arg9[%dma_wait3A_151, %dma_wait3A_159, %dma_wait3A_160] : memref<2x256x128xf32, #tpu.memory_space<vmem>> -> memref<1x256x128xf32, #tpu.memory_space<vmem>>
        %dma_wait3A_162 = tpu.memref_squeeze %dma_wait3A_161 : memref<1x256x128xf32, #tpu.memory_space<vmem>> -> memref<256x128xf32, #tpu.memory_space<vmem>>
        %dma_wait3A_163 = arith.constant 0 : i32
        %dma_wait3A_164 = tpu.memref_slice %arg2[%select_n3A, %dma_wait3A_163, %mul3A_32] : memref<8x512x768xf32, #tpu.memory_space<hbm>> -> memref<1x256x128xf32, #tpu.memory_space<hbm>>
        %dma_wait3A_165 = tpu.memref_squeeze %dma_wait3A_164 : memref<1x256x128xf32, #tpu.memory_space<hbm>> -> memref<256x128xf32, #tpu.memory_space<hbm>>
        tpu.wait_dma2 semaphore(%arg10 : memref<!tpu.dma_semaphore, #tpu.memory_space<semaphore_mem>>) src(%dma_wait3A_165 : memref<256x128xf32, #tpu.memory_space<hbm>>) dst(%dma_wait3A_162 : memref<256x128xf32, #tpu.memory_space<vmem>>)
      } else {
      }
      %eq3A_133 = arith.constant 1 : i32
      %eq3A_134 = arith.cmpi eq, %scan3A_113, %eq3A_133 : i32
      %convert_element_type3A_135 = arith.extui %eq3A_134 : i1 to i32
      %cond3A_136 = arith.constant 0 : i32
      %cond3A_137 = arith.cmpi ne, %convert_element_type3A_135, %cond3A_136 : i32
      scf.if %cond3A_137 {
        %dma_wait3A_151 = arith.constant 1 : i32
        %dma_wait3A_152 = arith.constant 0 : i32
        %dma_wait3A_153 = arith.constant 0 : i32
        %dma_wait3A_154 = tpu.memref_slice %arg9[%dma_wait3A_151, %dma_wait3A_152, %dma_wait3A_153] : memref<2x256x128xf32, #tpu.memory_space<vmem>> -> memref<1x256x128xf32, #tpu.memory_space<vmem>>
        %dma_wait3A_155 = tpu.memref_squeeze %dma_wait3A_154 : memref<1x256x128xf32, #tpu.memory_space<vmem>> -> memref<256x128xf32, #tpu.memory_space<vmem>>
        %dma_wait3A_156 = arith.constant 256 : i32
        %dma_wait3A_157 = tpu.memref_slice %arg2[%select_n3A, %dma_wait3A_156, %mul3A_32] : memref<8x512x768xf32, #tpu.memory_space<hbm>> -> memref<1x256x128xf32, #tpu.memory_space<hbm>>
        %dma_wait3A_158 = tpu.memref_squeeze %dma_wait3A_157 : memref<1x256x128xf32, #tpu.memory_space<hbm>> -> memref<256x128xf32, #tpu.memory_space<hbm>>
        %dma_wait3A_159 = arith.constant 0 : i32
        %dma_wait3A_160 = arith.constant 0 : i32
        %dma_wait3A_161 = tpu.memref_slice %arg9[%dma_wait3A_151, %dma_wait3A_159, %dma_wait3A_160] : memref<2x256x128xf32, #tpu.memory_space<vmem>> -> memref<1x256x128xf32, #tpu.memory_space<vmem>>
        %dma_wait3A_162 = tpu.memref_squeeze %dma_wait3A_161 : memref<1x256x128xf32, #tpu.memory_space<vmem>> -> memref<256x128xf32, #tpu.memory_space<vmem>>
        %dma_wait3A_163 = arith.constant 256 : i32
        %dma_wait3A_164 = tpu.memref_slice %arg2[%select_n3A, %dma_wait3A_163, %mul3A_32] : memref<8x512x768xf32, #tpu.memory_space<hbm>> -> memref<1x256x128xf32, #tpu.memory_space<hbm>>
        %dma_wait3A_165 = tpu.memref_squeeze %dma_wait3A_164 : memref<1x256x128xf32, #tpu.memory_space<hbm>> -> memref<256x128xf32, #tpu.memory_space<hbm>>
        tpu.wait_dma2 semaphore(%arg11 : memref<!tpu.dma_semaphore, #tpu.memory_space<semaphore_mem>>) src(%dma_wait3A_165 : memref<256x128xf32, #tpu.memory_space<hbm>>) dst(%dma_wait3A_162 : memref<256x128xf32, #tpu.memory_space<vmem>>)
      } else {
      }
      %parallel_loop3A = arith.constant 0 : i32
      %parallel_loop3A_138 = arith.constant 256 : i32
      %parallel_loop3A_139 = arith.constant 1 : i32
      %parallel_loop3A_140:16 = scf.for %parallel_loop3A_151 = %parallel_loop3A to %parallel_loop3A_138 step %parallel_loop3A_139 iter_args(%parallel_loop3A_152 = %scan3A_114, %parallel_loop3A_153 = %scan3A_115, %parallel_loop3A_154 = %scan3A_116, %parallel_loop3A_155 = %scan3A_117, %parallel_loop3A_156 = %scan3A_118, %parallel_loop3A_157 = %scan3A_119, %parallel_loop3A_158 = %scan3A_120, %parallel_loop3A_159 = %scan3A_121, %parallel_loop3A_160 = %scan3A_122, %parallel_loop3A_161 = %scan3A_123, %parallel_loop3A_162 = %scan3A_124, %parallel_loop3A_163 = %scan3A_125, %parallel_loop3A_164 = %scan3A_126, %parallel_loop3A_165 = %scan3A_127, %parallel_loop3A_166 = %scan3A_128, %parallel_loop3A_167 = %scan3A_129) -> (vector<16xf32>, vector<16xf32>, vector<16xf32>, vector<16xf32>, vector<16xf32>, vector<16xf32>, vector<16xf32>, vector<16xf32>, vector<16xf32>, vector<16xf32>, vector<16xf32>, vector<16xf32>, vector<16xf32>, vector<16xf32>, vector<16xf32>, vector<16xf32>)  : i32 {
        %parallel_loop3A_168 = arith.constant 256 : i32
        %parallel_loop3A_169 = arith.muli %scan3A_113, %parallel_loop3A_168 : i32
        %parallel_loop3A_170 = arith.addi %parallel_loop3A_169, %parallel_loop3A_151 : i32
        %parallel_loop3A_171 = vector.broadcast %parallel_loop3A_170 : i32 to vector<16xi32>
        %parallel_loop3A_172 = tpu.vector_load_idx %arg8[%parallel_loop3A_171] : memref<512xf32, #tpu.memory_space<vmem>>[vector<16xi32>], vector<16xf32>,
        %parallel_loop3A_173 = arith.constant 0 : i32
        %parallel_loop3A_174 = arith.constant 0 : i32
        %parallel_loop3A_175 = tpu.memref_slice %arg9[%scan3A_113, %parallel_loop3A_173, %parallel_loop3A_174] : memref<2x256x128xf32, #tpu.memory_space<vmem>> -> memref<1x256x128xf32, #tpu.memory_space<vmem>>
        %parallel_loop3A_176 = tpu.memref_squeeze %parallel_loop3A_175 : memref<1x256x128xf32, #tpu.memory_space<vmem>> -> memref<256x128xf32, #tpu.memory_space<vmem>>
        %parallel_loop3A_177 = arith.index_cast %parallel_loop3A_151 : i32 to index
        %parallel_loop3A_178 = arith.constant 0 : index
        %parallel_loop3A_179 = tpu.vector_load %parallel_loop3A_176[%parallel_loop3A_177, %parallel_loop3A_178] {strides = array<i32>} : memref<256x128xf32, #tpu.memory_space<vmem>>, vector<16xf32>,
        %parallel_loop3A_180 = arith.constant 0 : i32
        %parallel_loop3A_181 = arith.constant 0 : i32
        %parallel_loop3A_182 = tpu.memref_slice %arg9[%scan3A_113, %parallel_loop3A_180, %parallel_loop3A_181] : memref<2x256x128xf32, #tpu.memory_space<vmem>> -> memref<1x256x128xf32, #tpu.memory_space<vmem>>
        %parallel_loop3A_183 = tpu.memref_squeeze %parallel_loop3A_182 : memref<1x256x128xf32, #tpu.memory_space<vmem>> -> memref<256x128xf32, #tpu.memory_space<vmem>>
        %parallel_loop3A_184 = arith.index_cast %parallel_loop3A_151 : i32 to index
        %parallel_loop3A_185 = arith.constant 16 : index
        %parallel_loop3A_186 = tpu.vector_load %parallel_loop3A_183[%parallel_loop3A_184, %parallel_loop3A_185] {strides = array<i32>} : memref<256x128xf32, #tpu.memory_space<vmem>>, vector<16xf32>,
        %parallel_loop3A_187 = arith.constant 0 : i32
        %parallel_loop3A_188 = arith.constant 0 : i32
        %parallel_loop3A_189 = tpu.memref_slice %arg9[%scan3A_113, %parallel_loop3A_187, %parallel_loop3A_188] : memref<2x256x128xf32, #tpu.memory_space<vmem>> -> memref<1x256x128xf32, #tpu.memory_space<vmem>>
        %parallel_loop3A_190 = tpu.memref_squeeze %parallel_loop3A_189 : memref<1x256x128xf32, #tpu.memory_space<vmem>> -> memref<256x128xf32, #tpu.memory_space<vmem>>
        %parallel_loop3A_191 = arith.index_cast %parallel_loop3A_151 : i32 to index
        %parallel_loop3A_192 = arith.constant 32 : index
        %parallel_loop3A_193 = tpu.vector_load %parallel_loop3A_190[%parallel_loop3A_191, %parallel_loop3A_192] {strides = array<i32>} : memref<256x128xf32, #tpu.memory_space<vmem>>, vector<16xf32>,
        %parallel_loop3A_194 = arith.constant 0 : i32
        %parallel_loop3A_195 = arith.constant 0 : i32
        %parallel_loop3A_196 = tpu.memref_slice %arg9[%scan3A_113, %parallel_loop3A_194, %parallel_loop3A_195] : memref<2x256x128xf32, #tpu.memory_space<vmem>> -> memref<1x256x128xf32, #tpu.memory_space<vmem>>
        %parallel_loop3A_197 = tpu.memref_squeeze %parallel_loop3A_196 : memref<1x256x128xf32, #tpu.memory_space<vmem>> -> memref<256x128xf32, #tpu.memory_space<vmem>>
        %parallel_loop3A_198 = arith.index_cast %parallel_loop3A_151 : i32 to index
        %parallel_loop3A_199 = arith.constant 48 : index
        %parallel_loop3A_200 = tpu.vector_load %parallel_loop3A_197[%parallel_loop3A_198, %parallel_loop3A_199] {strides = array<i32>} : memref<256x128xf32, #tpu.memory_space<vmem>>, vector<16xf32>,
        %parallel_loop3A_201 = arith.constant 0 : i32
        %parallel_loop3A_202 = arith.constant 0 : i32
        %parallel_loop3A_203 = tpu.memref_slice %arg9[%scan3A_113, %parallel_loop3A_201, %parallel_loop3A_202] : memref<2x256x128xf32, #tpu.memory_space<vmem>> -> memref<1x256x128xf32, #tpu.memory_space<vmem>>
        %parallel_loop3A_204 = tpu.memref_squeeze %parallel_loop3A_203 : memref<1x256x128xf32, #tpu.memory_space<vmem>> -> memref<256x128xf32, #tpu.memory_space<vmem>>
        %parallel_loop3A_205 = arith.index_cast %parallel_loop3A_151 : i32 to index
        %parallel_loop3A_206 = arith.constant 64 : index
        %parallel_loop3A_207 = tpu.vector_load %parallel_loop3A_204[%parallel_loop3A_205, %parallel_loop3A_206] {strides = array<i32>} : memref<256x128xf32, #tpu.memory_space<vmem>>, vector<16xf32>,
        %parallel_loop3A_208 = arith.constant 0 : i32
        %parallel_loop3A_209 = arith.constant 0 : i32
        %parallel_loop3A_210 = tpu.memref_slice %arg9[%scan3A_113, %parallel_loop3A_208, %parallel_loop3A_209] : memref<2x256x128xf32, #tpu.memory_space<vmem>> -> memref<1x256x128xf32, #tpu.memory_space<vmem>>
        %parallel_loop3A_211 = tpu.memref_squeeze %parallel_loop3A_210 : memref<1x256x128xf32, #tpu.memory_space<vmem>> -> memref<256x128xf32, #tpu.memory_space<vmem>>
        %parallel_loop3A_212 = arith.index_cast %parallel_loop3A_151 : i32 to index
        %parallel_loop3A_213 = arith.constant 80 : index
        %parallel_loop3A_214 = tpu.vector_load %parallel_loop3A_211[%parallel_loop3A_212, %parallel_loop3A_213] {strides = array<i32>} : memref<256x128xf32, #tpu.memory_space<vmem>>, vector<16xf32>,
        %parallel_loop3A_215 = arith.constant 0 : i32
        %parallel_loop3A_216 = arith.constant 0 : i32
        %parallel_loop3A_217 = tpu.memref_slice %arg9[%scan3A_113, %parallel_loop3A_215, %parallel_loop3A_216] : memref<2x256x128xf32, #tpu.memory_space<vmem>> -> memref<1x256x128xf32, #tpu.memory_space<vmem>>
        %parallel_loop3A_218 = tpu.memref_squeeze %parallel_loop3A_217 : memref<1x256x128xf32, #tpu.memory_space<vmem>> -> memref<256x128xf32, #tpu.memory_space<vmem>>
        %parallel_loop3A_219 = arith.index_cast %parallel_loop3A_151 : i32 to index
        %parallel_loop3A_220 = arith.constant 96 : index
        %parallel_loop3A_221 = tpu.vector_load %parallel_loop3A_218[%parallel_loop3A_219, %parallel_loop3A_220] {strides = array<i32>} : memref<256x128xf32, #tpu.memory_space<vmem>>, vector<16xf32>,
        %parallel_loop3A_222 = arith.constant 0 : i32
        %parallel_loop3A_223 = arith.constant 0 : i32
        %parallel_loop3A_224 = tpu.memref_slice %arg9[%scan3A_113, %parallel_loop3A_222, %parallel_loop3A_223] : memref<2x256x128xf32, #tpu.memory_space<vmem>> -> memref<1x256x128xf32, #tpu.memory_space<vmem>>
        %parallel_loop3A_225 = tpu.memref_squeeze %parallel_loop3A_224 : memref<1x256x128xf32, #tpu.memory_space<vmem>> -> memref<256x128xf32, #tpu.memory_space<vmem>>
        %parallel_loop3A_226 = arith.index_cast %parallel_loop3A_151 : i32 to index
        %parallel_loop3A_227 = arith.constant 112 : index
        %parallel_loop3A_228 = tpu.vector_load %parallel_loop3A_225[%parallel_loop3A_226, %parallel_loop3A_227] {strides = array<i32>} : memref<256x128xf32, #tpu.memory_space<vmem>>, vector<16xf32>,
        %parallel_loop3A_229 = arith.addf %parallel_loop3A_152, %parallel_loop3A_179 : vector<16xf32>
        %parallel_loop3A_230 = arith.addf %parallel_loop3A_154, %parallel_loop3A_186 : vector<16xf32>
        %parallel_loop3A_231 = arith.addf %parallel_loop3A_156, %parallel_loop3A_193 : vector<16xf32>
        %parallel_loop3A_232 = arith.addf %parallel_loop3A_158, %parallel_loop3A_200 : vector<16xf32>
        %parallel_loop3A_233 = arith.addf %parallel_loop3A_160, %parallel_loop3A_207 : vector<16xf32>
        %parallel_loop3A_234 = arith.addf %parallel_loop3A_162, %parallel_loop3A_214 : vector<16xf32>
        %parallel_loop3A_235 = arith.addf %parallel_loop3A_164, %parallel_loop3A_221 : vector<16xf32>
        %parallel_loop3A_236 = arith.addf %parallel_loop3A_166, %parallel_loop3A_228 : vector<16xf32>
        %parallel_loop3A_237 = arith.constant 0.000000e+00 : f32
        %parallel_loop3A_238 = vector.broadcast %parallel_loop3A_237 : f32 to vector<16xf32>
        %parallel_loop3A_239 = arith.maximumf %parallel_loop3A_179, %parallel_loop3A_238 : vector<16xf32>
        %parallel_loop3A_240 = arith.constant 0.000000e+00 : f32
        %parallel_loop3A_241 = vector.broadcast %parallel_loop3A_240 : f32 to vector<16xf32>
        %parallel_loop3A_242 = arith.maximumf %parallel_loop3A_186, %parallel_loop3A_241 : vector<16xf32>
        %parallel_loop3A_243 = arith.constant 0.000000e+00 : f32
        %parallel_loop3A_244 = vector.broadcast %parallel_loop3A_243 : f32 to vector<16xf32>
        %parallel_loop3A_245 = arith.maximumf %parallel_loop3A_193, %parallel_loop3A_244 : vector<16xf32>
        %parallel_loop3A_246 = arith.constant 0.000000e+00 : f32
        %parallel_loop3A_247 = vector.broadcast %parallel_loop3A_246 : f32 to vector<16xf32>
        %parallel_loop3A_248 = arith.maximumf %parallel_loop3A_200, %parallel_loop3A_247 : vector<16xf32>
        %parallel_loop3A_249 = arith.constant 0.000000e+00 : f32
        %parallel_loop3A_250 = vector.broadcast %parallel_loop3A_249 : f32 to vector<16xf32>
        %parallel_loop3A_251 = arith.maximumf %parallel_loop3A_207, %parallel_loop3A_250 : vector<16xf32>
        %parallel_loop3A_252 = arith.constant 0.000000e+00 : f32
        %parallel_loop3A_253 = vector.broadcast %parallel_loop3A_252 : f32 to vector<16xf32>
        %parallel_loop3A_254 = arith.maximumf %parallel_loop3A_214, %parallel_loop3A_253 : vector<16xf32>
        %parallel_loop3A_255 = arith.constant 0.000000e+00 : f32
        %parallel_loop3A_256 = vector.broadcast %parallel_loop3A_255 : f32 to vector<16xf32>
        %parallel_loop3A_257 = arith.maximumf %parallel_loop3A_221, %parallel_loop3A_256 : vector<16xf32>
        %parallel_loop3A_258 = arith.constant 0.000000e+00 : f32
        %parallel_loop3A_259 = vector.broadcast %parallel_loop3A_258 : f32 to vector<16xf32>
        %parallel_loop3A_260 = arith.maximumf %parallel_loop3A_228, %parallel_loop3A_259 : vector<16xf32>
        %parallel_loop3A_261 = arith.mulf %gather3A, %parallel_loop3A_239 : vector<16xf32>
        %parallel_loop3A_262 = arith.mulf %gather3A, %parallel_loop3A_242 : vector<16xf32>
        %parallel_loop3A_263 = arith.mulf %gather3A, %parallel_loop3A_245 : vector<16xf32>
        %parallel_loop3A_264 = arith.mulf %gather3A, %parallel_loop3A_248 : vector<16xf32>
        %parallel_loop3A_265 = arith.mulf %gather3A, %parallel_loop3A_251 : vector<16xf32>
        %parallel_loop3A_266 = arith.mulf %gather3A, %parallel_loop3A_254 : vector<16xf32>
        %parallel_loop3A_267 = arith.mulf %gather3A, %parallel_loop3A_257 : vector<16xf32>
        %parallel_loop3A_268 = arith.mulf %gather3A, %parallel_loop3A_260 : vector<16xf32>
        %parallel_loop3A_269 = arith.mulf %parallel_loop3A_172, %parallel_loop3A_153 : vector<16xf32>
        %parallel_loop3A_270 = arith.mulf %parallel_loop3A_172, %parallel_loop3A_155 : vector<16xf32>
        %parallel_loop3A_271 = arith.mulf %parallel_loop3A_172, %parallel_loop3A_157 : vector<16xf32>
        %parallel_loop3A_272 = arith.mulf %parallel_loop3A_172, %parallel_loop3A_159 : vector<16xf32>
        %parallel_loop3A_273 = arith.mulf %parallel_loop3A_172, %parallel_loop3A_161 : vector<16xf32>
        %parallel_loop3A_274 = arith.mulf %parallel_loop3A_172, %parallel_loop3A_163 : vector<16xf32>
        %parallel_loop3A_275 = arith.mulf %parallel_loop3A_172, %parallel_loop3A_165 : vector<16xf32>
        %parallel_loop3A_276 = arith.mulf %parallel_loop3A_172, %parallel_loop3A_167 : vector<16xf32>
        %parallel_loop3A_277 = arith.addf %parallel_loop3A_269, %parallel_loop3A_261 : vector<16xf32>
        %parallel_loop3A_278 = arith.addf %parallel_loop3A_270, %parallel_loop3A_262 : vector<16xf32>
        %parallel_loop3A_279 = arith.addf %parallel_loop3A_271, %parallel_loop3A_263 : vector<16xf32>
        %parallel_loop3A_280 = arith.addf %parallel_loop3A_272, %parallel_loop3A_264 : vector<16xf32>
        %parallel_loop3A_281 = arith.addf %parallel_loop3A_273, %parallel_loop3A_265 : vector<16xf32>
        %parallel_loop3A_282 = arith.addf %parallel_loop3A_274, %parallel_loop3A_266 : vector<16xf32>
        %parallel_loop3A_283 = arith.addf %parallel_loop3A_275, %parallel_loop3A_267 : vector<16xf32>
        %parallel_loop3A_284 = arith.addf %parallel_loop3A_276, %parallel_loop3A_268 : vector<16xf32>
        %parallel_loop3A_285 = arith.addf %parallel_loop3A_229, %parallel_loop3A_277 : vector<16xf32>
        %parallel_loop3A_286 = arith.constant 0 : i32
        %parallel_loop3A_287 = arith.constant 0 : i32
        %parallel_loop3A_288 = tpu.memref_slice %arg9[%scan3A_113, %parallel_loop3A_286, %parallel_loop3A_287] : memref<2x256x128xf32, #tpu.memory_space<vmem>> -> memref<1x256x128xf32, #tpu.memory_space<vmem>>
        %parallel_loop3A_289 = tpu.memref_squeeze %parallel_loop3A_288 : memref<1x256x128xf32, #tpu.memory_space<vmem>> -> memref<256x128xf32, #tpu.memory_space<vmem>>
        %parallel_loop3A_290 = arith.index_cast %parallel_loop3A_151 : i32 to index
        %parallel_loop3A_291 = arith.constant 0 : index
        %parallel_loop3A_292 = tpu.vector_load %parallel_loop3A_289[%parallel_loop3A_290, %parallel_loop3A_291] {strides = array<i32>} : memref<256x128xf32, #tpu.memory_space<vmem>>, vector<16xf32>,
        tpu.vector_store %parallel_loop3A_289[%parallel_loop3A_290, %parallel_loop3A_291], %parallel_loop3A_285 {strides = array<i32>} : memref<256x128xf32, #tpu.memory_space<vmem>>, vector<16xf32>,
        %parallel_loop3A_293 = arith.addf %parallel_loop3A_230, %parallel_loop3A_278 : vector<16xf32>
        %parallel_loop3A_294 = arith.constant 0 : i32
        %parallel_loop3A_295 = arith.constant 0 : i32
        %parallel_loop3A_296 = tpu.memref_slice %arg9[%scan3A_113, %parallel_loop3A_294, %parallel_loop3A_295] : memref<2x256x128xf32, #tpu.memory_space<vmem>> -> memref<1x256x128xf32, #tpu.memory_space<vmem>>
        %parallel_loop3A_297 = tpu.memref_squeeze %parallel_loop3A_296 : memref<1x256x128xf32, #tpu.memory_space<vmem>> -> memref<256x128xf32, #tpu.memory_space<vmem>>
        %parallel_loop3A_298 = arith.index_cast %parallel_loop3A_151 : i32 to index
        %parallel_loop3A_299 = arith.constant 16 : index
        %parallel_loop3A_300 = tpu.vector_load %parallel_loop3A_297[%parallel_loop3A_298, %parallel_loop3A_299] {strides = array<i32>} : memref<256x128xf32, #tpu.memory_space<vmem>>, vector<16xf32>,
        tpu.vector_store %parallel_loop3A_297[%parallel_loop3A_298, %parallel_loop3A_299], %parallel_loop3A_293 {strides = array<i32>} : memref<256x128xf32, #tpu.memory_space<vmem>>, vector<16xf32>,
        %parallel_loop3A_301 = arith.addf %parallel_loop3A_231, %parallel_loop3A_279 : vector<16xf32>
        %parallel_loop3A_302 = arith.constant 0 : i32
        %parallel_loop3A_303 = arith.constant 0 : i32
        %parallel_loop3A_304 = tpu.memref_slice %arg9[%scan3A_113, %parallel_loop3A_302, %parallel_loop3A_303] : memref<2x256x128xf32, #tpu.memory_space<vmem>> -> memref<1x256x128xf32, #tpu.memory_space<vmem>>
        %parallel_loop3A_305 = tpu.memref_squeeze %parallel_loop3A_304 : memref<1x256x128xf32, #tpu.memory_space<vmem>> -> memref<256x128xf32, #tpu.memory_space<vmem>>
        %parallel_loop3A_306 = arith.index_cast %parallel_loop3A_151 : i32 to index
        %parallel_loop3A_307 = arith.constant 32 : index
        %parallel_loop3A_308 = tpu.vector_load %parallel_loop3A_305[%parallel_loop3A_306, %parallel_loop3A_307] {strides = array<i32>} : memref<256x128xf32, #tpu.memory_space<vmem>>, vector<16xf32>,
        tpu.vector_store %parallel_loop3A_305[%parallel_loop3A_306, %parallel_loop3A_307], %parallel_loop3A_301 {strides = array<i32>} : memref<256x128xf32, #tpu.memory_space<vmem>>, vector<16xf32>,
        %parallel_loop3A_309 = arith.addf %parallel_loop3A_232, %parallel_loop3A_280 : vector<16xf32>
        %parallel_loop3A_310 = arith.constant 0 : i32
        %parallel_loop3A_311 = arith.constant 0 : i32
        %parallel_loop3A_312 = tpu.memref_slice %arg9[%scan3A_113, %parallel_loop3A_310, %parallel_loop3A_311] : memref<2x256x128xf32, #tpu.memory_space<vmem>> -> memref<1x256x128xf32, #tpu.memory_space<vmem>>
        %parallel_loop3A_313 = tpu.memref_squeeze %parallel_loop3A_312 : memref<1x256x128xf32, #tpu.memory_space<vmem>> -> memref<256x128xf32, #tpu.memory_space<vmem>>
        %parallel_loop3A_314 = arith.index_cast %parallel_loop3A_151 : i32 to index
        %parallel_loop3A_315 = arith.constant 48 : index
        %parallel_loop3A_316 = tpu.vector_load %parallel_loop3A_313[%parallel_loop3A_314, %parallel_loop3A_315] {strides = array<i32>} : memref<256x128xf32, #tpu.memory_space<vmem>>, vector<16xf32>,
        tpu.vector_store %parallel_loop3A_313[%parallel_loop3A_314, %parallel_loop3A_315], %parallel_loop3A_309 {strides = array<i32>} : memref<256x128xf32, #tpu.memory_space<vmem>>, vector<16xf32>,
        %parallel_loop3A_317 = arith.addf %parallel_loop3A_233, %parallel_loop3A_281 : vector<16xf32>
        %parallel_loop3A_318 = arith.constant 0 : i32
        %parallel_loop3A_319 = arith.constant 0 : i32
        %parallel_loop3A_320 = tpu.memref_slice %arg9[%scan3A_113, %parallel_loop3A_318, %parallel_loop3A_319] : memref<2x256x128xf32, #tpu.memory_space<vmem>> -> memref<1x256x128xf32, #tpu.memory_space<vmem>>
        %parallel_loop3A_321 = tpu.memref_squeeze %parallel_loop3A_320 : memref<1x256x128xf32, #tpu.memory_space<vmem>> -> memref<256x128xf32, #tpu.memory_space<vmem>>
        %parallel_loop3A_322 = arith.index_cast %parallel_loop3A_151 : i32 to index
        %parallel_loop3A_323 = arith.constant 64 : index
        %parallel_loop3A_324 = tpu.vector_load %parallel_loop3A_321[%parallel_loop3A_322, %parallel_loop3A_323] {strides = array<i32>} : memref<256x128xf32, #tpu.memory_space<vmem>>, vector<16xf32>,
        tpu.vector_store %parallel_loop3A_321[%parallel_loop3A_322, %parallel_loop3A_323], %parallel_loop3A_317 {strides = array<i32>} : memref<256x128xf32, #tpu.memory_space<vmem>>, vector<16xf32>,
        %parallel_loop3A_325 = arith.addf %parallel_loop3A_234, %parallel_loop3A_282 : vector<16xf32>
        %parallel_loop3A_326 = arith.constant 0 : i32
        %parallel_loop3A_327 = arith.constant 0 : i32
        %parallel_loop3A_328 = tpu.memref_slice %arg9[%scan3A_113, %parallel_loop3A_326, %parallel_loop3A_327] : memref<2x256x128xf32, #tpu.memory_space<vmem>> -> memref<1x256x128xf32, #tpu.memory_space<vmem>>
        %parallel_loop3A_329 = tpu.memref_squeeze %parallel_loop3A_328 : memref<1x256x128xf32, #tpu.memory_space<vmem>> -> memref<256x128xf32, #tpu.memory_space<vmem>>
        %parallel_loop3A_330 = arith.index_cast %parallel_loop3A_151 : i32 to index
        %parallel_loop3A_331 = arith.constant 80 : index
        %parallel_loop3A_332 = tpu.vector_load %parallel_loop3A_329[%parallel_loop3A_330, %parallel_loop3A_331] {strides = array<i32>} : memref<256x128xf32, #tpu.memory_space<vmem>>, vector<16xf32>,
        tpu.vector_store %parallel_loop3A_329[%parallel_loop3A_330, %parallel_loop3A_331], %parallel_loop3A_325 {strides = array<i32>} : memref<256x128xf32, #tpu.memory_space<vmem>>, vector<16xf32>,
        %parallel_loop3A_333 = arith.addf %parallel_loop3A_235, %parallel_loop3A_283 : vector<16xf32>
        %parallel_loop3A_334 = arith.constant 0 : i32
        %parallel_loop3A_335 = arith.constant 0 : i32
        %parallel_loop3A_336 = tpu.memref_slice %arg9[%scan3A_113, %parallel_loop3A_334, %parallel_loop3A_335] : memref<2x256x128xf32, #tpu.memory_space<vmem>> -> memref<1x256x128xf32, #tpu.memory_space<vmem>>
        %parallel_loop3A_337 = tpu.memref_squeeze %parallel_loop3A_336 : memref<1x256x128xf32, #tpu.memory_space<vmem>> -> memref<256x128xf32, #tpu.memory_space<vmem>>
        %parallel_loop3A_338 = arith.index_cast %parallel_loop3A_151 : i32 to index
        %parallel_loop3A_339 = arith.constant 96 : index
        %parallel_loop3A_340 = tpu.vector_load %parallel_loop3A_337[%parallel_loop3A_338, %parallel_loop3A_339] {strides = array<i32>} : memref<256x128xf32, #tpu.memory_space<vmem>>, vector<16xf32>,
        tpu.vector_store %parallel_loop3A_337[%parallel_loop3A_338, %parallel_loop3A_339], %parallel_loop3A_333 {strides = array<i32>} : memref<256x128xf32, #tpu.memory_space<vmem>>, vector<16xf32>,
        %parallel_loop3A_341 = arith.addf %parallel_loop3A_236, %parallel_loop3A_284 : vector<16xf32>
        %parallel_loop3A_342 = arith.constant 0 : i32
        %parallel_loop3A_343 = arith.constant 0 : i32
        %parallel_loop3A_344 = tpu.memref_slice %arg9[%scan3A_113, %parallel_loop3A_342, %parallel_loop3A_343] : memref<2x256x128xf32, #tpu.memory_space<vmem>> -> memref<1x256x128xf32, #tpu.memory_space<vmem>>
        %parallel_loop3A_345 = tpu.memref_squeeze %parallel_loop3A_344 : memref<1x256x128xf32, #tpu.memory_space<vmem>> -> memref<256x128xf32, #tpu.memory_space<vmem>>
        %parallel_loop3A_346 = arith.index_cast %parallel_loop3A_151 : i32 to index
        %parallel_loop3A_347 = arith.constant 112 : index
        %parallel_loop3A_348 = tpu.vector_load %parallel_loop3A_345[%parallel_loop3A_346, %parallel_loop3A_347] {strides = array<i32>} : memref<256x128xf32, #tpu.memory_space<vmem>>, vector<16xf32>,
        tpu.vector_store %parallel_loop3A_345[%parallel_loop3A_346, %parallel_loop3A_347], %parallel_loop3A_341 {strides = array<i32>} : memref<256x128xf32, #tpu.memory_space<vmem>>, vector<16xf32>,
        scf.yield %parallel_loop3A_229, %parallel_loop3A_277, %parallel_loop3A_230, %parallel_loop3A_278, %parallel_loop3A_231, %parallel_loop3A_279, %parallel_loop3A_232, %parallel_loop3A_280, %parallel_loop3A_233, %parallel_loop3A_281, %parallel_loop3A_234, %parallel_loop3A_282, %parallel_loop3A_235, %parallel_loop3A_283, %parallel_loop3A_236, %parallel_loop3A_284 : vector<16xf32>, vector<16xf32>, vector<16xf32>, vector<16xf32>, vector<16xf32>, vector<16xf32>, vector<16xf32>, vector<16xf32>, vector<16xf32>, vector<16xf32>, vector<16xf32>, vector<16xf32>, vector<16xf32>, vector<16xf32>, vector<16xf32>, vector<16xf32>
      } {sc.loop_unroll_factor = 8 : i64, sc.parallel_access}
      %eq3A_141 = arith.constant 0 : i32
      %eq3A_142 = arith.cmpi eq, %scan3A_113, %eq3A_141 : i32
      %convert_element_type3A_143 = arith.extui %eq3A_142 : i1 to i32
      %cond3A_144 = arith.constant 0 : i32
      %cond3A_145 = arith.cmpi ne, %convert_element_type3A_143, %cond3A_144 : i32
      scf.if %cond3A_145 {
        %dma_start3A_151 = arith.constant 0 : i32
        %dma_start3A_152 = arith.constant 0 : i32
        %dma_start3A_153 = arith.constant 0 : i32
        %dma_start3A_154 = tpu.memref_slice %arg9[%dma_start3A_151, %dma_start3A_152, %dma_start3A_153] : memref<2x256x128xf32, #tpu.memory_space<vmem>> -> memref<1x256x128xf32, #tpu.memory_space<vmem>>
        %dma_start3A_155 = tpu.memref_squeeze %dma_start3A_154 : memref<1x256x128xf32, #tpu.memory_space<vmem>> -> memref<256x128xf32, #tpu.memory_space<vmem>>
        %dma_start3A_156 = arith.constant 0 : i32
        %dma_start3A_157 = tpu.memref_slice %arg5[%select_n3A, %dma_start3A_156, %mul3A_32] : memref<8x512x768xf32, #tpu.memory_space<hbm>> -> memref<1x256x128xf32, #tpu.memory_space<hbm>>
        %dma_start3A_158 = tpu.memref_squeeze %dma_start3A_157 : memref<1x256x128xf32, #tpu.memory_space<hbm>> -> memref<256x128xf32, #tpu.memory_space<hbm>>
        %dma_start3A_159 = arith.constant 0 : i32
        %dma_start3A_160 = tpu.memref_slice %arg5[%select_n3A, %dma_start3A_159, %mul3A_32] : memref<8x512x768xf32, #tpu.memory_space<hbm>> -> memref<1x256x128xf32, #tpu.memory_space<hbm>>
        %dma_start3A_161 = tpu.memref_squeeze %dma_start3A_160 : memref<1x256x128xf32, #tpu.memory_space<hbm>> -> memref<256x128xf32, #tpu.memory_space<hbm>>
        %dma_start3A_162 = arith.constant 0 : i32
        %dma_start3A_163 = arith.constant 0 : i32
        %dma_start3A_164 = tpu.memref_slice %arg9[%dma_start3A_151, %dma_start3A_162, %dma_start3A_163] : memref<2x256x128xf32, #tpu.memory_space<vmem>> -> memref<1x256x128xf32, #tpu.memory_space<vmem>>
        %dma_start3A_165 = tpu.memref_squeeze %dma_start3A_164 : memref<1x256x128xf32, #tpu.memory_space<vmem>> -> memref<256x128xf32, #tpu.memory_space<vmem>>
        tpu.enqueue_dma source(%dma_start3A_165 : memref<256x128xf32, #tpu.memory_space<vmem>>) target(%dma_start3A_161 : memref<256x128xf32, #tpu.memory_space<hbm>>) target_semaphore(%arg12 : memref<!tpu.dma_semaphore, #tpu.memory_space<semaphore_mem>>)
      } else {
      }
      %eq3A_146 = arith.constant 1 : i32
      %eq3A_147 = arith.cmpi eq, %scan3A_113, %eq3A_146 : i32
      %convert_element_type3A_148 = arith.extui %eq3A_147 : i1 to i32
      %cond3A_149 = arith.constant 0 : i32
      %cond3A_150 = arith.cmpi ne, %convert_element_type3A_148, %cond3A_149 : i32
      scf.if %cond3A_150 {
        %dma_start3A_151 = arith.constant 1 : i32
        %dma_start3A_152 = arith.constant 0 : i32
        %dma_start3A_153 = arith.constant 0 : i32
        %dma_start3A_154 = tpu.memref_slice %arg9[%dma_start3A_151, %dma_start3A_152, %dma_start3A_153] : memref<2x256x128xf32, #tpu.memory_space<vmem>> -> memref<1x256x128xf32, #tpu.memory_space<vmem>>
        %dma_start3A_155 = tpu.memref_squeeze %dma_start3A_154 : memref<1x256x128xf32, #tpu.memory_space<vmem>> -> memref<256x128xf32, #tpu.memory_space<vmem>>
        %dma_start3A_156 = arith.constant 256 : i32
        %dma_start3A_157 = tpu.memref_slice %arg5[%select_n3A, %dma_start3A_156, %mul3A_32] : memref<8x512x768xf32, #tpu.memory_space<hbm>> -> memref<1x256x128xf32, #tpu.memory_space<hbm>>
        %dma_start3A_158 = tpu.memref_squeeze %dma_start3A_157 : memref<1x256x128xf32, #tpu.memory_space<hbm>> -> memref<256x128xf32, #tpu.memory_space<hbm>>
        %dma_start3A_159 = arith.constant 256 : i32
        %dma_start3A_160 = tpu.memref_slice %arg5[%select_n3A, %dma_start3A_159, %mul3A_32] : memref<8x512x768xf32, #tpu.memory_space<hbm>> -> memref<1x256x128xf32, #tpu.memory_space<hbm>>
        %dma_start3A_161 = tpu.memref_squeeze %dma_start3A_160 : memref<1x256x128xf32, #tpu.memory_space<hbm>> -> memref<256x128xf32, #tpu.memory_space<hbm>>
        %dma_start3A_162 = arith.constant 0 : i32
        %dma_start3A_163 = arith.constant 0 : i32
        %dma_start3A_164 = tpu.memref_slice %arg9[%dma_start3A_151, %dma_start3A_162, %dma_start3A_163] : memref<2x256x128xf32, #tpu.memory_space<vmem>> -> memref<1x256x128xf32, #tpu.memory_space<vmem>>
        %dma_start3A_165 = tpu.memref_squeeze %dma_start3A_164 : memref<1x256x128xf32, #tpu.memory_space<vmem>> -> memref<256x128xf32, #tpu.memory_space<vmem>>
        tpu.enqueue_dma source(%dma_start3A_165 : memref<256x128xf32, #tpu.memory_space<vmem>>) target(%dma_start3A_161 : memref<256x128xf32, #tpu.memory_space<hbm>>) target_semaphore(%arg13 : memref<!tpu.dma_semaphore, #tpu.memory_space<semaphore_mem>>)
      } else {
      }
      scf.yield %parallel_loop3A_140#0, %parallel_loop3A_140#1, %parallel_loop3A_140#2, %parallel_loop3A_140#3, %parallel_loop3A_140#4, %parallel_loop3A_140#5, %parallel_loop3A_140#6, %parallel_loop3A_140#7, %parallel_loop3A_140#8, %parallel_loop3A_140#9, %parallel_loop3A_140#10, %parallel_loop3A_140#11, %parallel_loop3A_140#12, %parallel_loop3A_140#13, %parallel_loop3A_140#14, %parallel_loop3A_140#15 : vector<16xf32>, vector<16xf32>, vector<16xf32>, vector<16xf32>, vector<16xf32>, vector<16xf32>, vector<16xf32>, vector<16xf32>, vector<16xf32>, vector<16xf32>, vector<16xf32>, vector<16xf32>, vector<16xf32>, vector<16xf32>, vector<16xf32>, vector<16xf32>
    }
    %scan3A_83 = arith.constant 2 : i32
    %dma_wait3A = arith.constant 0 : i32
    %dma_wait3A_84 = arith.constant 0 : i32
    %dma_wait3A_85 = arith.constant 0 : i32
    %dma_wait3A_86 = tpu.memref_slice %arg9[%dma_wait3A, %dma_wait3A_84, %dma_wait3A_85] : memref<2x256x128xf32, #tpu.memory_space<vmem>> -> memref<1x256x128xf32, #tpu.memory_space<vmem>>
    %dma_wait3A_87 = tpu.memref_squeeze %dma_wait3A_86 : memref<1x256x128xf32, #tpu.memory_space<vmem>> -> memref<256x128xf32, #tpu.memory_space<vmem>>
    %dma_wait3A_88 = arith.constant 0 : i32
    %dma_wait3A_89 = tpu.memref_slice %arg5[%select_n3A, %dma_wait3A_88, %mul3A_32] : memref<8x512x768xf32, #tpu.memory_space<hbm>> -> memref<1x256x128xf32, #tpu.memory_space<hbm>>
    %dma_wait3A_90 = tpu.memref_squeeze %dma_wait3A_89 : memref<1x256x128xf32, #tpu.memory_space<hbm>> -> memref<256x128xf32, #tpu.memory_space<hbm>>
    %dma_wait3A_91 = arith.constant 0 : i32
    %dma_wait3A_92 = tpu.memref_slice %arg5[%select_n3A, %dma_wait3A_91, %mul3A_32] : memref<8x512x768xf32, #tpu.memory_space<hbm>> -> memref<1x256x128xf32, #tpu.memory_space<hbm>>
    %dma_wait3A_93 = tpu.memref_squeeze %dma_wait3A_92 : memref<1x256x128xf32, #tpu.memory_space<hbm>> -> memref<256x128xf32, #tpu.memory_space<hbm>>
    %dma_wait3A_94 = arith.constant 0 : i32
    %dma_wait3A_95 = arith.constant 0 : i32
    %dma_wait3A_96 = tpu.memref_slice %arg9[%dma_wait3A, %dma_wait3A_94, %dma_wait3A_95] : memref<2x256x128xf32, #tpu.memory_space<vmem>> -> memref<1x256x128xf32, #tpu.memory_space<vmem>>
    %dma_wait3A_97 = tpu.memref_squeeze %dma_wait3A_96 : memref<1x256x128xf32, #tpu.memory_space<vmem>> -> memref<256x128xf32, #tpu.memory_space<vmem>>
    tpu.wait_dma2 semaphore(%arg12 : memref<!tpu.dma_semaphore, #tpu.memory_space<semaphore_mem>>) src(%dma_wait3A_97 : memref<256x128xf32, #tpu.memory_space<vmem>>) dst(%dma_wait3A_93 : memref<256x128xf32, #tpu.memory_space<hbm>>)
    %dma_wait3A_98 = arith.constant 1 : i32
    %dma_wait3A_99 = arith.constant 0 : i32
    %dma_wait3A_100 = arith.constant 0 : i32
    %dma_wait3A_101 = tpu.memref_slice %arg9[%dma_wait3A_98, %dma_wait3A_99, %dma_wait3A_100] : memref<2x256x128xf32, #tpu.memory_space<vmem>> -> memref<1x256x128xf32, #tpu.memory_space<vmem>>
    %dma_wait3A_102 = tpu.memref_squeeze %dma_wait3A_101 : memref<1x256x128xf32, #tpu.memory_space<vmem>> -> memref<256x128xf32, #tpu.memory_space<vmem>>
    %dma_wait3A_103 = arith.constant 256 : i32
    %dma_wait3A_104 = tpu.memref_slice %arg5[%select_n3A, %dma_wait3A_103, %mul3A_32] : memref<8x512x768xf32, #tpu.memory_space<hbm>> -> memref<1x256x128xf32, #tpu.memory_space<hbm>>
    %dma_wait3A_105 = tpu.memref_squeeze %dma_wait3A_104 : memref<1x256x128xf32, #tpu.memory_space<hbm>> -> memref<256x128xf32, #tpu.memory_space<hbm>>
    %dma_wait3A_106 = arith.constant 256 : i32
    %dma_wait3A_107 = tpu.memref_slice %arg5[%select_n3A, %dma_wait3A_106, %mul3A_32] : memref<8x512x768xf32, #tpu.memory_space<hbm>> -> memref<1x256x128xf32, #tpu.memory_space<hbm>>
    %dma_wait3A_108 = tpu.memref_squeeze %dma_wait3A_107 : memref<1x256x128xf32, #tpu.memory_space<hbm>> -> memref<256x128xf32, #tpu.memory_space<hbm>>
    %dma_wait3A_109 = arith.constant 0 : i32
    %dma_wait3A_110 = arith.constant 0 : i32
    %dma_wait3A_111 = tpu.memref_slice %arg9[%dma_wait3A_98, %dma_wait3A_109, %dma_wait3A_110] : memref<2x256x128xf32, #tpu.memory_space<vmem>> -> memref<1x256x128xf32, #tpu.memory_space<vmem>>
    %dma_wait3A_112 = tpu.memref_squeeze %dma_wait3A_111 : memref<1x256x128xf32, #tpu.memory_space<vmem>> -> memref<256x128xf32, #tpu.memory_space<vmem>>
    tpu.wait_dma2 semaphore(%arg13 : memref<!tpu.dma_semaphore, #tpu.memory_space<semaphore_mem>>) src(%dma_wait3A_112 : memref<256x128xf32, #tpu.memory_space<vmem>>) dst(%dma_wait3A_108 : memref<256x128xf32, #tpu.memory_space<hbm>>)
    return
  }
}

module attributes {stable_mosaic.version = 14 : i64} {
  func.func @_tc_body(%arg0: i32, %arg1: memref<1x512x1xf32, #tpu.memory_space<vmem>>, %arg2: memref<1x2xf32, #tpu.memory_space<smem>>, %arg3: memref<1x512x256xf32, #tpu.memory_space<vmem>>, %arg4: memref<1x512x256xf32, #tpu.memory_space<vmem>>) attributes {dimension_semantics = [#tpu.dimension_semantics<arbitrary>], iteration_bounds = array<i64: 8>, scalar_prefetch = 0 : i64, scratch_operands = 0 : i64, tpu.core_type = #tpu.core_type<tc>, window_params = [{transform_indices = @transform_0, window_bounds = array<i64: 1, 512, 1>}, {transform_indices = @transform_1, window_bounds = array<i64: 1, 2>}, {transform_indices = @transform_2, window_bounds = array<i64: 1, 512, 256>}, {transform_indices = @transform_3, window_bounds = array<i64: 1, 512, 256>}]} {
    %get3A = arith.constant 0 : index
    %get3A_0 = arith.constant 0 : index
    %get3A_1 = memref.load %arg2[%get3A, %get3A_0] : memref<1x2xf32, #tpu.memory_space<smem>>
    %get3A_2 = arith.constant 0 : index
    %get3A_3 = arith.constant 1 : index
    %get3A_4 = memref.load %arg2[%get3A_2, %get3A_3] : memref<1x2xf32, #tpu.memory_space<smem>>
    %get3A_5 = arith.constant 0 : index
    %get3A_6 = arith.constant 0 : index
    %get3A_7 = arith.constant 0 : index
    %get3A_8 = vector.load %arg1[%get3A_5, %get3A_6, %get3A_7] : memref<1x512x1xf32, #tpu.memory_space<vmem>>, vector<1x512x1xf32>
    %get3A_9 = vector.shape_cast %get3A_8 : vector<1x512x1xf32> to vector<512x1xf32>
    %slice3A = vector.extract_strided_slice %get3A_9 {offsets = [0, 0], sizes = [1, 1], strides = [1, 1]} : vector<512x1xf32> to vector<1x1xf32>
    %sub3A = vector.broadcast %slice3A : vector<1x1xf32> to vector<512x1xf32>
    %sub3A_10 = arith.subf %get3A_9, %sub3A : vector<512x1xf32>
    %neg3A = arith.constant 0.000000e+00 : f32
    %neg3A_11 = arith.subf %neg3A, %get3A_4 : f32
    %mul3A = vector.broadcast %neg3A_11 : f32 to vector<512x1xf32>
    %mul3A_12 = arith.mulf %mul3A, %sub3A_10 : vector<512x1xf32>
    %exp3A = math.exp %mul3A_12 : vector<512x1xf32>
    %mul3A_13 = vector.broadcast %get3A_4 : f32 to vector<512x1xf32>
    %mul3A_14 = arith.mulf %mul3A_13, %sub3A_10 : vector<512x1xf32>
    %exp3A_15 = math.exp %mul3A_14 : vector<512x1xf32>
    %mul3A_16 = vector.broadcast %get3A_1 : f32 to vector<512x1xf32>
    %mul3A_17 = arith.mulf %mul3A_16, %exp3A_15 : vector<512x1xf32>
    %get3A_18 = arith.constant 0 : index
    %get3A_19 = arith.constant 0 : index
    %get3A_20 = arith.constant 0 : index
    %get3A_21 = vector.load %arg3[%get3A_18, %get3A_19, %get3A_20] : memref<1x512x256xf32, #tpu.memory_space<vmem>>, vector<1x512x256xf32>
    %get3A_22 = vector.shape_cast %get3A_21 : vector<1x512x256xf32> to vector<512x256xf32>
    %max3A = arith.constant 0.000000e+00 : f32
    %max3A_23 = vector.broadcast %max3A : f32 to vector<512x256xf32>
    %max3A_24 = arith.maximumf %get3A_22, %max3A_23 : vector<512x256xf32>
    %mul3A_25 = vector.broadcast %exp3A : vector<512x1xf32> to vector<512x256xf32>
    %mul3A_26 = arith.mulf %mul3A_25, %max3A_24 : vector<512x256xf32>
    %concatenate3A = tpu.concatenate %get3A_22, %mul3A_26 in 1 : vector<512x256xf32>, vector<512x256xf32> -> vector<512x512xf32>
    %broadcast_in_dim3A = arith.constant 0.000000e+00 : f32
    %broadcast_in_dim3A_27 = vector.broadcast %broadcast_in_dim3A : f32 to vector<1x512xf32>
    %slice3A_28 = vector.extract_strided_slice %concatenate3A {offsets = [0, 0], sizes = [511, 512], strides = [1, 1]} : vector<512x512xf32> to vector<511x512xf32>
    %concatenate3A_29 = tpu.concatenate %broadcast_in_dim3A_27, %slice3A_28 in 0 : vector<1x512xf32>, vector<511x512xf32> -> vector<512x512xf32>
    %add3A = arith.addf %concatenate3A, %concatenate3A_29 : vector<512x512xf32>
    %broadcast_in_dim3A_30 = arith.constant 0.000000e+00 : f32
    %broadcast_in_dim3A_31 = vector.broadcast %broadcast_in_dim3A_30 : f32 to vector<2x512xf32>
    %slice3A_32 = vector.extract_strided_slice %add3A {offsets = [0, 0], sizes = [510, 512], strides = [1, 1]} : vector<512x512xf32> to vector<510x512xf32>
    %concatenate3A_33 = tpu.concatenate %broadcast_in_dim3A_31, %slice3A_32 in 0 : vector<2x512xf32>, vector<510x512xf32> -> vector<512x512xf32>
    %add3A_34 = arith.addf %add3A, %concatenate3A_33 : vector<512x512xf32>
    %broadcast_in_dim3A_35 = arith.constant 0.000000e+00 : f32
    %broadcast_in_dim3A_36 = vector.broadcast %broadcast_in_dim3A_35 : f32 to vector<4x512xf32>
    %slice3A_37 = vector.extract_strided_slice %add3A_34 {offsets = [0, 0], sizes = [508, 512], strides = [1, 1]} : vector<512x512xf32> to vector<508x512xf32>
    %concatenate3A_38 = tpu.concatenate %broadcast_in_dim3A_36, %slice3A_37 in 0 : vector<4x512xf32>, vector<508x512xf32> -> vector<512x512xf32>
    %add3A_39 = arith.addf %add3A_34, %concatenate3A_38 : vector<512x512xf32>
    %broadcast_in_dim3A_40 = arith.constant 0.000000e+00 : f32
    %broadcast_in_dim3A_41 = vector.broadcast %broadcast_in_dim3A_40 : f32 to vector<8x512xf32>
    %slice3A_42 = vector.extract_strided_slice %add3A_39 {offsets = [0, 0], sizes = [504, 512], strides = [1, 1]} : vector<512x512xf32> to vector<504x512xf32>
    %concatenate3A_43 = tpu.concatenate %broadcast_in_dim3A_41, %slice3A_42 in 0 : vector<8x512xf32>, vector<504x512xf32> -> vector<512x512xf32>
    %add3A_44 = arith.addf %add3A_39, %concatenate3A_43 : vector<512x512xf32>
    %broadcast_in_dim3A_45 = arith.constant 0.000000e+00 : f32
    %broadcast_in_dim3A_46 = vector.broadcast %broadcast_in_dim3A_45 : f32 to vector<16x512xf32>
    %slice3A_47 = vector.extract_strided_slice %add3A_44 {offsets = [0, 0], sizes = [496, 512], strides = [1, 1]} : vector<512x512xf32> to vector<496x512xf32>
    %concatenate3A_48 = tpu.concatenate %broadcast_in_dim3A_46, %slice3A_47 in 0 : vector<16x512xf32>, vector<496x512xf32> -> vector<512x512xf32>
    %add3A_49 = arith.addf %add3A_44, %concatenate3A_48 : vector<512x512xf32>
    %broadcast_in_dim3A_50 = arith.constant 0.000000e+00 : f32
    %broadcast_in_dim3A_51 = vector.broadcast %broadcast_in_dim3A_50 : f32 to vector<32x512xf32>
    %slice3A_52 = vector.extract_strided_slice %add3A_49 {offsets = [0, 0], sizes = [480, 512], strides = [1, 1]} : vector<512x512xf32> to vector<480x512xf32>
    %concatenate3A_53 = tpu.concatenate %broadcast_in_dim3A_51, %slice3A_52 in 0 : vector<32x512xf32>, vector<480x512xf32> -> vector<512x512xf32>
    %add3A_54 = arith.addf %add3A_49, %concatenate3A_53 : vector<512x512xf32>
    %broadcast_in_dim3A_55 = arith.constant 0.000000e+00 : f32
    %broadcast_in_dim3A_56 = vector.broadcast %broadcast_in_dim3A_55 : f32 to vector<64x512xf32>
    %slice3A_57 = vector.extract_strided_slice %add3A_54 {offsets = [0, 0], sizes = [448, 512], strides = [1, 1]} : vector<512x512xf32> to vector<448x512xf32>
    %concatenate3A_58 = tpu.concatenate %broadcast_in_dim3A_56, %slice3A_57 in 0 : vector<64x512xf32>, vector<448x512xf32> -> vector<512x512xf32>
    %add3A_59 = arith.addf %add3A_54, %concatenate3A_58 : vector<512x512xf32>
    %broadcast_in_dim3A_60 = arith.constant 0.000000e+00 : f32
    %broadcast_in_dim3A_61 = vector.broadcast %broadcast_in_dim3A_60 : f32 to vector<128x512xf32>
    %slice3A_62 = vector.extract_strided_slice %add3A_59 {offsets = [0, 0], sizes = [384, 512], strides = [1, 1]} : vector<512x512xf32> to vector<384x512xf32>
    %concatenate3A_63 = tpu.concatenate %broadcast_in_dim3A_61, %slice3A_62 in 0 : vector<128x512xf32>, vector<384x512xf32> -> vector<512x512xf32>
    %add3A_64 = arith.addf %add3A_59, %concatenate3A_63 : vector<512x512xf32>
    %broadcast_in_dim3A_65 = arith.constant 0.000000e+00 : f32
    %broadcast_in_dim3A_66 = vector.broadcast %broadcast_in_dim3A_65 : f32 to vector<256x512xf32>
    %slice3A_67 = vector.extract_strided_slice %add3A_64 {offsets = [0, 0], sizes = [256, 512], strides = [1, 1]} : vector<512x512xf32> to vector<256x512xf32>
    %concatenate3A_68 = tpu.concatenate %broadcast_in_dim3A_66, %slice3A_67 in 0 : vector<256x512xf32>, vector<256x512xf32> -> vector<512x512xf32>
    %add3A_69 = arith.addf %add3A_64, %concatenate3A_68 : vector<512x512xf32>
    %slice3A_70 = vector.extract_strided_slice %add3A_69 {offsets = [0, 0], sizes = [512, 256], strides = [1, 1]} : vector<512x512xf32> to vector<512x256xf32>
    %slice3A_71 = vector.extract_strided_slice %add3A_69 {offsets = [0, 256], sizes = [512, 256], strides = [1, 1]} : vector<512x512xf32> to vector<512x256xf32>
    %mul3A_72 = vector.broadcast %mul3A_17 : vector<512x1xf32> to vector<512x256xf32>
    %mul3A_73 = arith.mulf %mul3A_72, %slice3A_71 : vector<512x256xf32>
    %add3A_74 = arith.addf %slice3A_70, %mul3A_73 : vector<512x256xf32>
    %swap3A = arith.constant 0 : index
    %swap3A_75 = arith.constant 0 : index
    %swap3A_76 = arith.constant 0 : index
    %swap3A_77 = vector.load %arg4[%swap3A, %swap3A_75, %swap3A_76] : memref<1x512x256xf32, #tpu.memory_space<vmem>>, vector<1x512x256xf32>
    %swap3A_78 = vector.shape_cast %swap3A_77 : vector<1x512x256xf32> to vector<512x256xf32>
    %swap3A_79 = vector.shape_cast %add3A_74 : vector<512x256xf32> to vector<1x512x256xf32>
    tpu.vector_store %arg4[%swap3A, %swap3A_75, %swap3A_76], %swap3A_79 {strides = array<i32>} : memref<1x512x256xf32, #tpu.memory_space<vmem>>, vector<1x512x256xf32>,
    return
  }
  func.func @transform_0(%arg0: i32) -> (i32, i32, i32) {
    %c0_i32 = arith.constant 0 : i32
    %c0_i32_0 = arith.constant 0 : i32
    %c0_i32_1 = arith.constant 0 : i32
    return %arg0, %c0_i32, %c0_i32_0 : i32, i32, i32
  }
  func.func @transform_1(%arg0: i32) -> (i32, i32) {
    %c0_i32 = arith.constant 0 : i32
    %c0_i32_0 = arith.constant 0 : i32
    %c0_i32_1 = arith.constant 0 : i32
    return %c0_i32, %c0_i32_0 : i32, i32
  }
  func.func @transform_2(%arg0: i32) -> (i32, i32, i32) {
    %c0_i32 = arith.constant 0 : i32
    %c2_i32 = arith.constant 2 : i32
    %c0_i32_0 = arith.constant 0 : i32
    return %arg0, %c0_i32, %c2_i32 : i32, i32, i32
  }
  func.func @transform_3(%arg0: i32) -> (i32, i32, i32) {
    %c0_i32 = arith.constant 0 : i32
    %c0_i32_0 = arith.constant 0 : i32
    %c0_i32_1 = arith.constant 0 : i32
    return %arg0, %c0_i32, %c0_i32_0 : i32, i32, i32
  }
}

</mosaic_0001>

<sc_bundles>
// kernel: _heat.4.cloned.1.call-start
scs
__scs_entry_jumppad:
0x0: {  	(pc) =	sbr.rel $0x88, $3  }
0x1: {  	(tag) =	ssettag $0x0;
	lr =	simm.s32 $0x1  }
0x2: {  	[smem:$0x3F9E] =	sst lr;
	_ =	strace $0xD0000000  }
0x3: {  	_ = 	snop  }
0x4: {  	_ = 	snop  }
0x5: {  	_ = 	snop  }
0x6: {  	_ = 	snop  }
0x7: {  	_ = 	snop  }
__scs_overlays_trampoline_lowered:
0x8: {  	[smem:$0x3FAD] =	sst s0  }
0x9: {  	[smem:$0x3FAE] =	sst s1  }
0xa: {  	[smem:$0x3FAF] =	sst s2  }
0xb: {  	[smem:$0x3FB0] =	sst s3  }
0xc: {  	[smem:$0x3FB1] =	sst s4  }
0xd: {  	[smem:$0x3FB2] =	sst s5  }
0xe: {  	[smem:$0x3FB3] =	sst s6  }
0xf: {  	[smem:$0x3FB4] =	sst s7  }
0x10: {  	[smem:$0x3FB5] =	sst s8  }
0x11: {  	[smem:$0x3FB6] =	sst s9;
	s0 =	simm.s32 @!p0 $0x0  }
0x12: {  	s1 =	sld [smem:$0x3F9C];
	s0 =	simm.s32 @p0 $0x1  }
0x13: {  	[smem:$0x3FB7] =	sst s0;
	s0 =	simm.s32 @!p1 $0x0  }
0x14: {  	s2 =	sld [smem:$0x3F9B];
	s0 =	simm.s32 @p1 $0x1  }
0x15: {  	[smem:$0x3FB8] =	sst s0;
	s0 =	simm.s32 @!p2 $0x0  }
0x16: {  	s3 =	sld [smem:$0x3FDB];
	s0 =	simm.s32 @p2 $0x1  }
0x17: {  	s4 =	simm.s32 $0x1BF5;
	[smem:$0x3FBA] =	sst s0  }
0x18: {  	s0 =	sld [smem:$0x3F9D];
	_ =	swait.ge [sflag:s4], $0x0  }
0x19: {  	s7 =	sld [smem:$0x3F9E]  }
0x1a: {  	s8 =	sadd.s32 $0xFFFFE003, lr  }
0x1b: {  	s9 =	sadd.s32 $0xFFFFFEF7, lr;
	s5 =	simm.s32 $0xFFFFFFFF;
	p2 =	slt.u32 s8, $0xFFFFF086  }
0x1c: {  	p1 =	slt.u32 s9, $0xF7A;
	s5 =	simm.s32 @!p2 $0x0  }
0x1d: {  	s5 =	simm.s32 @p1 $0x1;
	p0 =	seq.s32 s7, s2  }
0x1e: {  	s7 =	smul.u32 @!p0 $0xF7A, s2;
	p2 =	seq.s32 @!p0 s5, $0x0  }
0x1f: {  	s9 =	smul.u32 $0xF7A, s1;
	s8 =	simm.s32 @!p0 $0x1BF5;
	p2 =	por !p2, p0  }
0x20: {  	[sflag:s8] =	ssyncset.s32 @!p0 $0xFFFFF086;
	s6 =	sadd.s32 @!p0 s3, s7;
	s7 =	simm.s32 @!p0 $0x108  }
0x21: {  	s3 =	sadd.s32 s3, s9;
	s6 =	sadd.s32 @!p0 $0x88, s6;
	s7 =	simm.s32 @p2 $0x1082  }
0x22: {  	[simem:s7], [sflag:s8] =	dma.local @!p0 [hbm:s6], $0xF7A  }
0x23: {  	s9 =	sor.u32 $0xD0000000, s2;
	s6 =	simm.s32 $0x108;
	_ =	swait.ge @!p0 [sflag:s8], $0x0  }
0x24: {  	s3 =	sadd.s32 $0x88, s3;
	s6 =	simm.s32 @!p1 $0x1082;
	[sflag:s4] =	ssyncset.s32 $0xFFFFF086  }
0x25: {  	[simem:s6], [sflag:s4] =	dma.local [hbm:s3], $0xF7A  }
0x26: {  	[smem:$0x3F9E] =	sst s1;
	(tag) =	ssettag s2;
	_ =	strace s9  }
0x27: {  	s1 =	sld [smem:$0x3FAE]  }
0x28: {  	s2 =	sld [smem:$0x3FAF]  }
0x29: {  	s4 =	sld [smem:$0x3FB1]  }
0x2a: {  	p0 =	seq.s32 s5, $0x0;
	s5 =	sld [smem:$0x3FB2]  }
0x2b: {  	s6 =	sld [smem:$0x3FB3]  }
0x2c: {  	s7 =	sld [smem:$0x3FB4]  }
0x2d: {  	s3 =	simm.s32 $0x108;
	s8 =	sld [smem:$0x3FB5]  }
0x2e: {  	s3 =	simm.s32 @!p0 $0x1082;
	s9 =	sld [smem:$0x3FB6]  }
0x2f: {  	lr =	sadd.s32 s0, s3;
	s0 =	sld [smem:$0x3FAD]  }
0x30: {  	s3 =	sld [smem:$0x3FB0]  }
0x31: {  	[smem:$0x3FB9] =	sst s10  }
0x32: {  	s10 =	sld [smem:$0x3FB7];
	_ =	sdelay $0x3  }
0x33: {  	p0 =	seq.s32 s10, $0x1;
	s10 =	sld [smem:$0x3FB9];
	_ =	sdelay $0x3  }
0x34: {  	[smem:$0x3FB9] =	sst s10  }
0x35: {  	s10 =	sld [smem:$0x3FB8];
	_ =	sdelay $0x3  }
0x36: {  	p1 =	seq.s32 s10, $0x1;
	s10 =	sld [smem:$0x3FB9];
	_ =	sdelay $0x3  }
0x37: {  	[smem:$0x3FB9] =	sst s10  }
0x38: {  	s10 =	sld [smem:$0x3FBA]  }
0x39: {  	_ = 	snop;
	(pc) =	sbr.ind lr, $3  }
0x3a: {  	_ = 	snop  }
0x3b: {  	_ = 	snop  }
0x3c: {  	p2 =	seq.s32 s10, $0x1;
	s10 =	sld [smem:$0x3FB9]  }
0x3d: {  	_ =	shalt  }
0x3e: {  	_ =	shalt  }
0x3f: {  	_ =	shalt  }
0x40: {  	_ =	shalt  }
0x41: {  	_ =	shalt  }
0x42: {  	_ =	shalt  }
0x43: {  	_ =	shalt  }
0x44: {  	_ =	shalt  }
0x45: {  	_ =	shalt  }
0x46: {  	_ =	shalt  }
0x47: {  	_ =	shalt  }
0x48: {  	_ =	shalt  }
0x49: {  	_ =	shalt  }
0x4a: {  	_ =	shalt  }
0x4b: {  	_ =	shalt  }
0x4c: {  	_ =	shalt  }
0x4d: {  	_ =	shalt  }
0x4e: {  	_ =	shalt  }
0x4f: {  	_ =	shalt  }
0x50: {  	_ =	shalt  }
0x51: {  	_ =	shalt  }
0x52: {  	_ =	shalt  }
0x53: {  	_ =	shalt  }
0x54: {  	_ =	shalt  }
0x55: {  	_ =	shalt  }
0x56: {  	_ =	shalt  }
0x57: {  	_ =	shalt  }
0x58: {  	_ =	shalt  }
0x59: {  	_ =	shalt  }
0x5a: {  	_ =	shalt  }
0x5b: {  	_ =	shalt  }
0x5c: {  	_ =	shalt  }
0x5d: {  	_ =	shalt  }
0x5e: {  	_ =	shalt  }
0x5f: {  	_ =	shalt  }
0x60: {  	_ =	shalt  }
0x61: {  	_ =	shalt  }
0x62: {  	_ =	shalt  }
0x63: {  	_ =	shalt  }
0x64: {  	_ =	shalt  }
0x65: {  	_ =	shalt  }
0x66: {  	_ =	shalt  }
0x67: {  	_ =	shalt  }
0x68: {  	_ =	shalt  }
0x69: {  	_ =	shalt  }
0x6a: {  	_ =	shalt  }
0x6b: {  	_ =	shalt  }
0x6c: {  	_ =	shalt  }
0x6d: {  	_ =	shalt  }
0x6e: {  	_ =	shalt  }
0x6f: {  	_ =	shalt  }
0x70: {  	_ =	shalt  }
0x71: {  	_ =	shalt  }
0x72: {  	_ =	shalt  }
0x73: {  	_ =	shalt  }
0x74: {  	_ =	shalt  }
0x75: {  	_ =	shalt  }
0x76: {  	_ =	shalt  }
0x77: {  	_ =	shalt  }
0x78: {  	_ =	shalt  }
0x79: {  	_ =	shalt  }
0x7a: {  	_ =	shalt  }
0x7b: {  	_ =	shalt  }
0x7c: {  	_ =	shalt  }
0x7d: {  	_ =	shalt  }
0x7e: {  	_ =	shalt  }
0x7f: {  	_ =	shalt  }
0x80: {  	_ =	shalt  }
0x81: {  	_ =	shalt  }
0x82: {  	_ =	shalt  }
0x83: {  	_ =	shalt  }
0x84: {  	_ =	shalt  }
0x85: {  	_ =	shalt  }
0x86: {  	_ =	shalt  }
0x87: {  	_ =	shalt  }
.Lfunc_end0:
.L_simem_size_0:
called_computation_lowered:
.L_overlay_start_0:
0x88: {  	s2 =	sld [smem:$0x3FD9]  }
0x89: {  	s3 =	sld [smem:$0x3FFE];
	_ =	sdelay $0x1  }
0x8a: {  	s1 =	srdreg.scid  }
0x8b: {  	s0 =	sand.u32 $0x1, s1  }
0x8c: {  	s18 =	sshll.u32 s0, $0xA;
	s2 =	sadd.s32 s3, s2  }
0x8d: {  	s2 =	sadd.s32 s2, s18  }
0x8e: {  	[smem:$0x3FC5] =	sst s2  }
0x8f: {  	_ = 	snop  }
0x90: {  	s2 =	sld [smem:$0x3FC9]  }
0x91: {  	s19 =	sld [smem:$0x3FC8]  }
0x92: {  	s4 =	sld [smem:$0x3FC7]  }
0x93: {  	s5 =	sld [smem:$0x3FD0];
	(tm) =	ssettm $0x1  }
0x94: {  	s6 =	sld [smem:$0x3FFB];
	_ =	sdelay $0x3  }
0x95: {  	_ =	strace s6  }
0x96: {  	s6 =	sld [smem:$0x3FFC];
	_ =	sdelay $0x3  }
0x97: {  	_ =	strace s6  }
0x98: {  	s6 =	sld [smem:$0x3FFD];
	_ =	sdelay $0x3  }
0x99: {  	_ =	strace s6  }
0x9a: {  	_ =	strace $0x8FFFFFFF  }
0x9b: {  	s20 =	sld [smem:$0x3FDB];
	_ =	sdelay $0x1  }
0x9c: {  	s7 =	simm.s32 $_scs_section_size  }
0x9d: {  	s8 =	simm.s32 $_size__tile_overlayer_lowered;
	s9 =	simm.s32 $_tile_overlayer_lowered  }
0x9e: {  	s23 =	simm.s32 $0x1BFF;
	s22 =	sshll.u32 s9, $0x1;
	s6 =	sadd.s32 s7, s20  }
0x9f: {  	s10 =	simm.s32 $0x0;
	s21 =	sshll.u32 s8, $0x1;
	s8 =	sadd.s32 s22, s6  }
0xa0: {  	[timem:s10], [sflag:s23] =	dma.local [hbm:s8], s21  }
0xa1: {  	_ =	swait.ge [sflag:s23], s21  }
0xa2: {  	s7 =	ssub.s32 $0x0, s21;
	[sflag:s23] =	ssyncset.done $0x0  }
0xa3: {  	[sflag:s23] =	ssyncadd.s32 s7;
	_ =	sdelay $0x1  }
0xa4: {  	s24 =	simm.s32 $0x1B8B  }
0xa5: {  	_ =	swait.ge [sflag:s24], $0x1  }
0xa6: {  	[sflag:s24] =	ssyncset.done $0x0  }
0xa7: {  	s25 =	simm.s32 $0x1B8E;
	[sflag:s24] =	ssyncadd.s32 $0xFFFFFFFF  }
0xa8: {  	s26 =	simm.s32 $execute0_lowered;
	[smem:$0x3FD2] =	sst s25  }
0xa9: {  	s7 =	sshll.u32 s26, $0x1;
	_ =	strace $0x80000046;
	[dreg:$0x1] =	wrdreg $0xFFFFFFFF  }
0xaa: {  	s28 =	simm.s32 $_size_execute0_lowered;
	s6 =	sadd.s32 s6, s7;
	[dreg:$0x0] =	wrdreg $0x0  }
0xab: {  	s7 =	sshll.u32 s28, $0x1;
	[dreg:$0x2] =	wrdreg s6  }
0xac: {  	[dreg:$0x3] =	wrdreg s7  }
0xad: {  	[dreg:$0x4] =	wrdreg $0xC0  }
0xae: {  	_ =	task [dreg:s10], $0x5FFFF  }
0xaf: {  	[dreg:$0x1] =	wrdreg $0xFFFFFFFF  }
0xb0: {  	[dreg:$0x0] =	wrdreg $0x60  }
0xb1: {  	[dreg:$0x2] =	wrdreg s2  }
0xb2: {  	[dreg:$0x3] =	wrdreg s19  }
0xb3: {  	[dreg:$0x4] =	wrdreg s4  }
0xb4: {  	[dreg:$0x5] =	wrdreg s5  }
0xb5: {  	[dreg:$0x6] =	wrdreg $0x9  }
0xb6: {  	_ =	task.clear_ibuf [dreg:s10], $0x7FFFF;
	_ =	strace $0x90000046  }
0xb7: {  	s29 =	simm.s32 $0x9;
	_ =	strace $0x80000048  }
0xb8: {  	_ =	swait.ge [sflag:s29], $0x1  }
0xb9: {  	[sflag:s29] =	ssyncadd.s32 $0xFFFFFFFF  }
0xba: {  	_ =	strace $0x90000048  }
0xbb: {  	_ =	sfence  }
0xbc: {  	s30 =	sld [smem:$0x0];
	_ =	sdelay $0x2  }
0xbd: {  	s31 =	sshll.u32 s1, $0xD;
	s1 =	sshrl.u32 s1, $0x2  }
0xbe: {  	s3 =	sand.u32 $0x4000, s31;
	s1 =	sadd.s32 s1, s30  }
0xbf: {  	s0 =	sor.u32 s3, s0;
	s1 =	sshll.u32 s1, $0x11  }
0xc0: {  	s0 =	sor.u32 s1, s0  }
0xc1: {  	s0 =	sadd.s32 $0x8F2B, s0  }
0xc2: {  	[sflag:s0] =	ssyncadd.remote.s32 $0x1  }
0xc3: {  	_ =	sfence.sel $0xFFFF  }
0xc4: {  	[dreg:$0x0] =	wrdreg $0xFFFFFFFF;
	(pc) =	sbr.abs _section_cstart, $3  }
0xc5: {  	[dreg:$0x1] =	wrdreg $0xFFFFFFFF  }
0xc6: {  	_ =	task.clear_ibuf [dreg:s10], $0x2FFFF;
	_ =	strace $0x9FFFFFFF  }
0xc7: {  	(tm) =	ssettm $0x7FFFFFFF  }
tec
execute0_lowered:
.L_overlay_start_1:
0x0: {  	(tag) =	ssettag $0x1  }
0x1: {  	s5 =	rddreg [dreg:$0x0]  }
0x2: {  	s6 =	rddreg [dreg:$0x1]  }
0x3: {  	s1 =	rddreg [dreg:$0x2]  }
0x4: {  	s0 =	stileid.u32;
	s8 =	rddreg [dreg:$0x3]  }
0x5: {  	s2 =	srdreg.scid;
	s12 =	simm.s32 $0x480;
	s13 =	simm.s32 $0x8480  }
0x6: {  	s14 =	simm.s32 $0x5;
	s15 =	simm.s32 $0x80;
	s16 =	simm.s32 $0x280  }
0x7: {  	s17 =	simm.s32 $0x3;
	s18 =	simm.s32 $0x4;
	s19 =	simm.s32 $0x0  }
0x8: {  	s3 =	sshll.u32 s0, $0x1;
	s4 =	sand.u32 $0x1, s2;
	s7 =	sshrl.u32 s0, $0x1  }
0x9: {  	s2 =	rddreg [dreg:$0x4];
	s3 =	sand.u32 $0x2, s3;
	s10 =	smul.u32 $0x60000, s7  }
0xa: {  	s7 =	sshll.u32 s7, $0x4;
	s9 =	sor.u32 s4, s3;
	s3 =	simm.s32 $0x0  }
0xb: {  	s4 =	ssub.s32 $0x2, s4;
	s6 =	sadd.s32 s6, s7;
	s9 =	sshll.u32 s9, $0xA  }
.Ltmp0:
0xc: {  	[smem:$0x7FF] =	sst s3;
	s9 =	sor.u32 s10, s9;
	(pc) =	sbr.rel .LBB2_1-.Ltmp0, $4  }
0xd: {  	s11 =	sshrl.u32 s4, $0x1;
	_ =	strace $0x80000047;
	s9 =	sshrl.u32 s9, $0x3  }
0xe: {  	v5 =	vlaneseq.u32;
	s30 =	ssub.s32 s4, s11;
	s10 =	simm.s32 $0x400;
	s31 =	sadd.s32 $0x6000, s9  }
0xf: {  	v6 =	vadd.s32 $0xFFFFFFFF, v5;
	s11 =	simm.s32 $0x1800;
	s4 =	sadd.s32 s5, s9;
	s5 =	sadd.s32 s5, s31  }
0x10: {  	[tilespmem:$0x1FFF0] =	vst v6;
	s7 =	sadd.s32 s8, s31;
	s8 =	sadd.s32 s8, s9;
	s9 =	smax.u32 s30, $0x1  }
.LBB2_8:
0x11: {  	[hbm4b:s7+s10] =	stream.strided.scatter [tilespmem:s13], [sflag:$0x4], $0x8000, s11, s10, $0x38;
	[tilespmem:$0x10480] =	vst v63  }
0x12: {  	_ =	swait.ge [sflag:s17], $0x8000  }
0x13: {  	[sflag:s17] =	ssyncset.done $0x0  }
0x14: {  	s19 =	sadd.s32 $0x1, s19;
	[sflag:s17] =	ssyncadd.s32 $0xFFFF8000  }
0x15: {  	p0 =	sne.s32 s19, s9;
	_ =	swait.ge [sflag:s18], $0x8000  }
.Ltmp1:
0x16: {  	v6 =	vld [tilespmem:$0x1FFF0];
	(pc) =	sbr.rel @!p0 .LBB2_9-.Ltmp1, $3  }
0x17: {  	_ =	sdelay $0x1  }
0x18: {  	[sflag:s18] =	ssyncset.done $0x0  }
0x19: {  	v5 =	vlaneseq.u32;
	[sflag:s18] =	ssyncadd.s32 $0xFFFF8000  }
.LBB2_1:
0x1a: {  	[tilespmem:s12], [sflag:$0x1] =	stream.strided.gather [hbm4b:s4+s10], $0x8000, s11, s10, $0x38;
	[tilespmem:$0x10480] =	vst v63  }
0x1b: {  	_ = 	snop  }
0x1c: {  	[tilespmem:s13], [sflag:$0x2] =	stream.strided.gather [hbm4b:s5+s10], $0x8000, s11, s10, $0x38;
	[tilespmem:$0x10480] =	vst v63  }
0x1d: {  	_ = 	snop  }
0x1e: {  	[tilespmem:s3], [sflag:$0x5] =	stream.linear.gather [hbm4b:s1+s3], $0x80, $0x38;
	[tilespmem:$0x10480] =	vst v63  }
0x1f: {  	v0 =	vmov s3;
	_ =	swait.ge [sflag:s14], $0x80  }
0x20: {  	vm0 =	veq.s32 v0, v5;
	v0 =	vadd.s32 s3, v6;
	[sflag:s14] =	ssyncset.done $0x0  }
0x21: {  	v0 =	vsel vm0, $0x0, v0;
	[sflag:s14] =	ssyncadd.s32 $0xFFFFFF80  }
0x22: {  	[tilespmem:s15], [sflag:$0x5] =	stream.strided.gather [hbm4b:s6+s15], $0x200, s10, s15, $0x38;
	[tilespmem:$0x10480] =	vst v63  }
0x23: {  	_ =	swait.ge [sflag:s14], $0x200  }
0x24: {  	[sflag:s14] =	ssyncset.done $0x0  }
0x25: {  	[sflag:s14] =	ssyncadd.s32 $0xFFFFFE00  }
0x26: {  	v1 =	vld.idx.msk [tilespmem:v0+s15+$0x0], $0xffff;
	v0 =	vimm.s32 $0x2;
	_ =	sdelay $0x2  }
0x27: {  	v2 =	vld [tilespmem:s15+$0x0];
	_ =	sdelay $0x1  }
0x28: {  	v0 =	vld.idx.msk [tilespmem:v0+s3+$0x0], $0xffff;
	_ =	sdelay $0x2  }
0x29: {  	v1 =	vsub.f32 v2, v1;
	_ =	sdelay $0x1  }
0x2a: {  	v1 =	vmul.f32 v1, v0;
	_ =	sdelay $0x1  }
0x2b: {  	v2 =	vmul.f32 $2.480158760e-05, v1;
	_ =	sdelay $0x1  }
0x2c: {  	v2 =	vadd.f32 $1.984127010e-04, v2;
	_ =	sdelay $0x1  }
0x2d: {  	v2 =	vmul.f32 v2, v1;
	_ =	sdelay $0x1  }
0x2e: {  	v2 =	vadd.f32 $1.388888920e-03, v2;
	_ =	sdelay $0x1  }
0x2f: {  	v2 =	vmul.f32 v2, v1;
	_ =	sdelay $0x1  }
0x30: {  	v2 =	vadd.f32 $8.333333770e-03, v2;
	_ =	sdelay $0x1  }
0x31: {  	v2 =	vmul.f32 v2, v1;
	_ =	sdelay $0x1  }
0x32: {  	v2 =	vadd.f32 $4.166666790e-02, v2;
	_ =	sdelay $0x1  }
0x33: {  	v2 =	vmul.f32 v2, v1;
	_ =	sdelay $0x1  }
0x34: {  	v2 =	vadd.f32 $1.666666720e-01, v2;
	_ =	sdelay $0x1  }
0x35: {  	v2 =	vmul.f32 v2, v1;
	_ =	sdelay $0x1  }
0x36: {  	v2 =	vadd.f32 $5.000000000e-01, v2;
	_ =	sdelay $0x1  }
0x37: {  	v2 =	vmul.f32 v2, v1  }
0x38: {  	s20 =	simm.s32 $0x10  }
0x39: {  	v3 =	vmov s20;
	v2 =	vadd.f32 $1.000000000e+00, v2  }
0x3a: {  	vm15 =	veq.s32 v3, v5  }
0x3b: {  	v3 =	vadd.s32 s20, v6;
	v1 =	vmul.f32 v2, v1;
	v2 =	vimm.s32 $0x1  }
0x3c: {  	v3 =	vsel vm15, $0x0, v3;
	_ =	sdelay $0x1  }
0x3d: {  	v1 =	vadd.f32 $1.000000000e+00, v1;
	_ =	sdelay $0x1  }
0x3e: {  	v4 =	vld.idx.msk [tilespmem:v2+s3+$0x0], $0xffff;
	[tilespmem:s16+$0x0] =	vst v1  }
0x3f: {  	s20 =	simm.s32 $0x90;
	v1 =	vld.idx.msk [tilespmem:v3+s15+$0x0], $0xffff  }
0x40: {  	v2 =	vld [tilespmem:s20+$0x0];
	_ =	sdelay $0x4  }
0x41: {  	v1 =	vsub.f32 v2, v1;
	_ =	sdelay $0x1  }
0x42: {  	v1 =	vmul.f32 v1, v0;
	_ =	sdelay $0x1  }
0x43: {  	v2 =	vmul.f32 $2.480158760e-05, v1;
	_ =	sdelay $0x1  }
0x44: {  	v2 =	vadd.f32 $1.984127010e-04, v2;
	_ =	sdelay $0x1  }
0x45: {  	v2 =	vmul.f32 v2, v1;
	_ =	sdelay $0x1  }
0x46: {  	v2 =	vadd.f32 $1.388888920e-03, v2;
	_ =	sdelay $0x1  }
0x47: {  	v2 =	vmul.f32 v2, v1;
	_ =	sdelay $0x1  }
0x48: {  	v2 =	vadd.f32 $8.333333770e-03, v2;
	_ =	sdelay $0x1  }
0x49: {  	v2 =	vmul.f32 v2, v1;
	_ =	sdelay $0x1  }
0x4a: {  	v2 =	vadd.f32 $4.166666790e-02, v2;
	_ =	sdelay $0x1  }
0x4b: {  	v2 =	vmul.f32 v2, v1;
	_ =	sdelay $0x1  }
0x4c: {  	v2 =	vadd.f32 $1.666666720e-01, v2;
	_ =	sdelay $0x1  }
0x4d: {  	v2 =	vmul.f32 v2, v1;
	_ =	sdelay $0x1  }
0x4e: {  	v2 =	vadd.f32 $5.000000000e-01, v2;
	_ =	sdelay $0x1  }
0x4f: {  	v2 =	vmul.f32 v2, v1  }
0x50: {  	s22 =	simm.s32 $0x20  }
0x51: {  	s23 =	simm.s32 $0x30;
	s21 =	simm.s32 $0x280;
	v3 =	vmov s22;
	v2 =	vadd.f32 $1.000000000e+00, v2  }
.LBB2_2:
0x52: {  	p0 =	sne.s32 s23, $0x1F0;
	vm0 =	veq.s32 v3, v5;
	v3 =	vadd.s32 s22, v6;
	s22 =	smov.u32 s23  }
0x53: {  	v3 =	vsel vm0, $0x0, v3;
	v1 =	vmul.f32 v2, v1;
	_ =	sdelay $0x1  }
0x54: {  	v1 =	vadd.f32 $1.000000000e+00, v1  }
0x55: {  	s21 =	sadd.s32 $0x10, s21  }
0x56: {  	[tilespmem:s21+$0x0] =	vst v1  }
0x57: {  	s20 =	sadd.s32 $0x10, s20;
	v1 =	vld.idx.msk [tilespmem:v3+s15+$0x0], $0xffff  }
0x58: {  	v2 =	vld [tilespmem:s20+$0x0];
	_ =	sdelay $0x4  }
0x59: {  	v1 =	vsub.f32 v2, v1;
	_ =	sdelay $0x1  }
0x5a: {  	v1 =	vmul.f32 v1, v0;
	_ =	sdelay $0x1  }
0x5b: {  	v2 =	vmul.f32 $2.480158760e-05, v1;
	_ =	sdelay $0x1  }
0x5c: {  	v2 =	vadd.f32 $1.984127010e-04, v2;
	_ =	sdelay $0x1  }
0x5d: {  	v2 =	vmul.f32 v2, v1;
	_ =	sdelay $0x1  }
0x5e: {  	v2 =	vadd.f32 $1.388888920e-03, v2;
	_ =	sdelay $0x1  }
0x5f: {  	v2 =	vmul.f32 v2, v1;
	_ =	sdelay $0x1  }
0x60: {  	v2 =	vadd.f32 $8.333333770e-03, v2;
	_ =	sdelay $0x1  }
0x61: {  	v2 =	vmul.f32 v2, v1;
	_ =	sdelay $0x1  }
0x62: {  	v2 =	vadd.f32 $4.166666790e-02, v2;
	_ =	sdelay $0x1  }
0x63: {  	v2 =	vmul.f32 v2, v1;
	_ =	sdelay $0x1  }
0x64: {  	v2 =	vadd.f32 $1.666666720e-01, v2;
	_ =	sdelay $0x1  }
0x65: {  	v2 =	vmul.f32 v2, v1;
	_ =	sdelay $0x1  }
.Ltmp2:
0x66: {  	v2 =	vadd.f32 $5.000000000e-01, v2;
	(pc) =	sbr.rel @p0 .LBB2_2-.Ltmp2, $3  }
0x67: {  	_ = 	snop  }
0x68: {  	v2 =	vmul.f32 v2, v1;
	_ =	sdelay $0x1  }
0x69: {  	s23 =	sadd.s32 $0x10, s23;
	v3 =	vmov s22;
	v2 =	vadd.f32 $1.000000000e+00, v2  }
0x6a: {  	vm0 =	veq.s32 v3, v5;
	v3 =	vadd.s32 s22, v6  }
0x6b: {  	v3 =	vsel vm0, $0x0, v3;
	v1 =	vmul.f32 v2, v1;
	_ =	sdelay $0x1  }
0x6c: {  	v1 =	vadd.f32 $1.000000000e+00, v1  }
0x6d: {  	s21 =	sadd.s32 $0x10, s21  }
0x6e: {  	[tilespmem:s21+$0x0] =	vst v1  }
0x6f: {  	s20 =	sadd.s32 $0x10, s20;
	v1 =	vld.idx.msk [tilespmem:v3+s15+$0x0], $0xffff  }
0x70: {  	v61 =	vld [tilespmem:s20+$0x0];
	_ =	sdelay $0x4  }
0x71: {  	v1 =	vsub.f32 v61, v1;
	_ =	sdelay $0x1  }
0x72: {  	v0 =	vmul.f32 v1, v0;
	_ =	sdelay $0x1  }
0x73: {  	v1 =	vmul.f32 $2.480158760e-05, v0;
	_ =	sdelay $0x1  }
0x74: {  	v1 =	vadd.f32 $1.984127010e-04, v1;
	_ =	sdelay $0x1  }
0x75: {  	v1 =	vmul.f32 v1, v0;
	_ =	sdelay $0x1  }
0x76: {  	v1 =	vadd.f32 $1.388888920e-03, v1;
	_ =	sdelay $0x1  }
0x77: {  	v1 =	vmul.f32 v1, v0;
	_ =	sdelay $0x1  }
0x78: {  	v1 =	vadd.f32 $8.333333770e-03, v1;
	_ =	sdelay $0x1  }
0x79: {  	v1 =	vmul.f32 v1, v0;
	_ =	sdelay $0x1  }
0x7a: {  	v1 =	vadd.f32 $4.166666790e-02, v1;
	_ =	sdelay $0x1  }
0x7b: {  	v1 =	vmul.f32 v1, v0;
	_ =	sdelay $0x1  }
0x7c: {  	v1 =	vadd.f32 $1.666666720e-01, v1;
	_ =	sdelay $0x1  }
0x7d: {  	v1 =	vmul.f32 v1, v0;
	_ =	sdelay $0x1  }
0x7e: {  	v1 =	vadd.f32 $5.000000000e-01, v1;
	_ =	sdelay $0x1  }
0x7f: {  	v1 =	vmul.f32 v1, v0;
	_ =	sdelay $0x1  }
0x80: {  	v1 =	vadd.f32 $1.000000000e+00, v1  }
0x81: {  	v52 =	vimm.f32 $0.0e+00;
	v14 =	vimm.f32 $0.0e+00;
	v62 =	vimm.f32 $0.0e+00  }
0x82: {  	v39 =	vimm.f32 $0.0e+00;
	v19 =	vimm.f32 $0.0e+00;
	v0 =	vmul.f32 v1, v0  }
0x83: {  	v40 =	vimm.f32 $0.0e+00;
	v63 =	vimm.f32 $0.0e+00;
	v55 =	vimm.f32 $0.0e+00  }
0x84: {  	v42 =	vimm.f32 $0.0e+00;
	v45 =	vimm.f32 $0.0e+00;
	[tilespmem:$0x1FFD0] =	vst v62;
	v0 =	vadd.f32 $1.000000000e+00, v0  }
0x85: {  	v6 =	vimm.f32 $0.0e+00;
	v36 =	vimm.f32 $0.0e+00;
	v43 =	vimm.f32 $0.0e+00;
	[tilespmem:$0x1FFE0] =	vst v63;
	s31 =	sadd.s32 $0x10, s21  }
0x86: {  	p0 =	por $0x1, $0x1;
	v22 =	vimm.f32 $0.0e+00;
	v32 =	vimm.f32 $0.0e+00;
	v63 =	vimm.f32 $0.0e+00;
	s20 =	simm.s32 $0x0;
	[tilespmem:s31+$0x0] =	vst v0  }
.LBB2_4:
0x87: {  	s21 =	sshll.u32 s20, $0x8  }
0x88: {  	s22 =	sadd.s32 $0xFFFFFFF8, s21  }
0x89: {  	s23 =	sadd.s32 $0x8, s22  }
0x8a: {  	s24 =	simm.s32 $0x1;
	v0 =	vmov s23  }
0x8b: {  	s24 =	simm.s32 @!p0 $0x2;
	v0 =	vand.u32 $0xFFFFFFF8, v0  }
0x8c: {  	_ =	swait.ge [sflag:s24], $0x8000;
	s23 =	sshll.u32 s20, $0x11;
	v0 =	vbroadcast v0, $0x0  }
0x8d: {  	s25 =	sadd.s32 $0x9, s22;
	[sflag:s24] =	ssyncset.done $0x0;
	s20 =	sshra.s32 s23, $0x2  }
0x8e: {  	v1 =	vmov s25;
	[sflag:s24] =	ssyncadd.s32 $0xFFFF8000;
	s20 =	sor.u32 $0x680, s20  }
0x8f: {  	v1 =	vand.u32 $0xFFFFFFF9, v1;
	v44 =	vld [tilespmem:s20+$0x100]  }
0x90: {  	v2 =	vbroadcast v1, $0x0;
	v9 =	vld [tilespmem:s20+$0x80]  }
0x91: {  	v11 =	vld [tilespmem:s20+$0xFFFFFE00]  }
0x92: {  	s26 =	sadd.s32 $0xA, s22;
	v3 =	vld.idx.msk [tilespmem:v0+s16+$0x0], $0xffff  }
0x93: {  	v5 =	vmov s26;
	v61 =	vld [tilespmem:s20+$0x90]  }
0x94: {  	v15 =	vld [tilespmem:s20+$0xFFFFFE80];
	v0 =	vand.u32 $0xFFFFFFFA, v5  }
0x95: {  	s28 =	sadd.s32 $0xB, s22;
	s29 =	sadd.s32 $0xC, s22;
	v20 =	vld [tilespmem:s20+$0xFFFFFE10];
	v5 =	vbroadcast v0, $0x0  }
0x96: {  	v8 =	vmov s28;
	v12 =	vmov s29;
	v10 =	vmax.f32 v11, $0.0e+00;
	v0 =	vld.idx.msk [tilespmem:v2+s16+$0x0], $0xffff  }
0x97: {  	v21 =	vld [tilespmem:s20+$0x0];
	v2 =	vand.u32 $0xFFFFFFFB, v8;
	v8 =	vmul.f32 v10, v4;
	v10 =	vmul.f32 v3, v22  }
0x98: {  	v12 =	vand.u32 $0xFFFFFFFC, v12;
	v56 =	vld [tilespmem:s20+$0xFFFFFE90]  }
0x99: {  	v16 =	vbroadcast v12, $0x0;
	v12 =	vld [tilespmem:s20+$0x10];
	v2 =	vbroadcast v2, $0x0;
	v1 =	vadd.f32 v8, v10  }
0x9a: {  	s30 =	sadd.s32 $0xE, s22;
	v17 =	vmax.f32 v15, $0.0e+00;
	v22 =	vld [tilespmem:s20+$0xFFFFFF00]  }
0x9b: {  	v13 =	vmov s30;
	v17 =	vmul.f32 v17, v4;
	v10 =	vld.idx.msk [tilespmem:v5+s16+$0x0], $0xffff;
	[tilespmem:$0x1FA80] =	vst v1;
	v18 =	vmul.f32 v0, v1  }
0x9c: {  	v13 =	vand.u32 $0xFFFFFFFE, v13;
	v23 =	vld [tilespmem:s20+$0xFFFFFF80]  }
0x9d: {  	v25 =	vbroadcast v13, $0x0;
	v62 =	vld [tilespmem:s20+$0xFFFFFF10];
	v13 =	vadd.f32 v17, v18  }
0x9e: {  	v59 =	vld [tilespmem:s20+$0xFFFFFF90]  }
0x9f: {  	v5 =	vmax.f32 v20, $0.0e+00;
	v18 =	vld.idx.msk [tilespmem:v2+s16+$0x0], $0xffff;
	[tilespmem:$0x1FA90] =	vst v13  }
0xa0: {  	v24 =	vmul.f32 v3, v36;
	v5 =	vmul.f32 v5, v4;
	v17 =	vld [tilespmem:s20+$0xFFFFFF20];
	_ =	sdelay $0x1  }
0xa1: {  	v1 =	vadd.f32 v5, v24;
	_ =	sdelay $0x1  }
0xa2: {  	[tilespmem:$0x1FAA0] =	vst v1  }
0xa3: {  	[tilespmem:$0x1FD30] =	vst v17  }
0xa4: {  	v7 =	vld [tilespmem:s20+$0xFFFFFF40];
	_ =	sdelay $0x2  }
0xa5: {  	s31 =	sadd.s32 $0xD, s22  }
0xa6: {  	v8 =	vmov s31  }
0xa7: {  	v8 =	vand.u32 $0xFFFFFFFD, v8;
	[tilespmem:$0x1FE10] =	vst v7  }
0xa8: {  	v26 =	vbroadcast v8, $0x0;
	v8 =	vmax.f32 v22, $0.0e+00;
	v33 =	vld.idx.msk [tilespmem:v16+s16+$0x0], $0xffff  }
0xa9: {  	v8 =	vmul.f32 v8, v4;
	v13 =	vmul.f32 v10, v13;
	v16 =	vld [tilespmem:s20+$0xFFFFFF60];
	_ =	sdelay $0x1  }
0xaa: {  	v28 =	vmul.f32 v0, v1;
	v1 =	vadd.f32 v8, v13  }
0xab: {  	v5 =	vmax.f32 v56, $0.0e+00  }
0xac: {  	v27 =	vmul.f32 v5, v4;
	[tilespmem:$0x1FAB0] =	vst v1  }
0xad: {  	v8 =	vmax.f32 v23, $0.0e+00;
	[tilespmem:$0x1FEA0] =	vst v16  }
0xae: {  	v2 =	vadd.f32 v27, v28;
	v27 =	vmul.f32 v8, v4;
	v8 =	vld [tilespmem:s20+$0xFFFFFF70];
	_ =	sdelay $0x3  }
0xaf: {  	[tilespmem:$0x1FAC0] =	vst v2  }
0xb0: {  	v13 =	vmax.f32 v62, $0.0e+00;
	[tilespmem:$0x1FE70] =	vst v8  }
0xb1: {  	v28 =	vmul.f32 v18, v1;
	v1 =	vadd.f32 v11, v32;
	v11 =	vmul.f32 v13, v4;
	v13 =	vld [tilespmem:s20+$0xFFFFFEA0];
	_ =	sdelay $0x2  }
0xb2: {  	v48 =	vmul.f32 v10, v2  }
0xb3: {  	v5 =	vadd.f32 v27, v28;
	[tilespmem:$0x1FAD0] =	vst v1  }
0xb4: {  	v30 =	vmax.f32 v21, $0.0e+00;
	v2 =	vadd.f32 v11, v48;
	v1 =	vadd.f32 v15, v1;
	[tilespmem:$0x1FCF0] =	vst v13  }
0xb5: {  	v15 =	vmul.f32 v30, v4;
	v27 =	vld.idx.msk [tilespmem:v26+s16+$0x0], $0xffff;
	[tilespmem:$0x1FAE0] =	vst v5;
	v26 =	vmul.f32 v33, v5  }
0xb6: {  	v35 =	vmax.f32 v59, $0.0e+00;
	v49 =	vld [tilespmem:s20+$0xFFFFFE20];
	[tilespmem:$0x1FAF0] =	vst v1;
	v1 =	vadd.f32 v22, v1  }
0xb7: {  	v50 =	vmul.f32 v18, v2;
	v22 =	vmul.f32 v35, v4;
	[tilespmem:$0x1FB00] =	vst v2;
	v5 =	vadd.f32 v15, v26  }
0xb8: {  	v38 =	vld [tilespmem:s20+$0xFFFFFE60];
	[tilespmem:$0x1FB10] =	vst v1;
	v1 =	vadd.f32 v23, v1  }
0xb9: {  	v2 =	vadd.f32 v22, v50;
	v30 =	vld.idx.msk [tilespmem:v25+s16+$0x0], $0xffff;
	[tilespmem:$0x1FB20] =	vst v5  }
0xba: {  	v29 =	vmax.f32 v9, $0.0e+00;
	[tilespmem:$0x1FB30] =	vst v1  }
0xbb: {  	v22 =	vmul.f32 v29, v4;
	v29 =	vld [tilespmem:s20+$0xFFFFFE70];
	[tilespmem:$0x1FB40] =	vst v2  }
0xbc: {  	v11 =	vmax.f32 v7, $0.0e+00;
	v7 =	vld [tilespmem:s20+$0xFFFFFEC0];
	_ =	sdelay $0x1  }
0xbd: {  	v1 =	vadd.f32 v21, v1;
	_ =	sdelay $0x1  }
0xbe: {  	[tilespmem:$0x1FB50] =	vst v1  }
0xbf: {  	[tilespmem:$0x1FDA0] =	vst v7  }
0xc0: {  	v21 =	vld [tilespmem:s20+$0xFFFFFED0];
	_ =	sdelay $0x3  }
0xc1: {  	v34 =	vmax.f32 v12, $0.0e+00;
	v24 =	vmax.f32 v44, $0.0e+00;
	v9 =	vadd.f32 v9, v1  }
0xc2: {  	v51 =	vmax.f32 v16, $0.0e+00;
	v25 =	vmul.f32 v34, v4;
	v26 =	vmul.f32 v33, v2;
	[tilespmem:$0x1FDD0] =	vst v21  }
0xc3: {  	v15 =	vmul.f32 v24, v4;
	v24 =	vmul.f32 v27, v5;
	v5 =	vadd.f32 v44, v9;
	v16 =	vld [tilespmem:s20+$0xFFFFFEE0]  }
0xc4: {  	v1 =	vadd.f32 v25, v26  }
0xc5: {  	[tilespmem:$0x1FF80] =	vst v5;
	v5 =	vadd.f32 v38, v39  }
0xc6: {  	[tilespmem:$0x1FB60] =	vst v1  }
0xc7: {  	v24 =	vadd.f32 v22, v24;
	[tilespmem:$0x1FE40] =	vst v5  }
0xc8: {  	[tilespmem:$0x1FE50] =	vst v16  }
0xc9: {  	v2 =	vadd.f32 v20, v43;
	v20 =	vmul.f32 v30, v24;
	v5 =	vadd.f32 v29, v14;
	v22 =	vld [tilespmem:s20+$0xFFFFFEF0]  }
0xca: {  	v31 =	vmax.f32 v61, $0.0e+00  }
0xcb: {  	v31 =	vmul.f32 v31, v4;
	v1 =	vmul.f32 v27, v1;
	[tilespmem:$0x1FDE0] =	vst v5;
	v5 =	vadd.f32 v15, v20;
	_ =	sdelay $0x1  }
0xcc: {  	v1 =	vadd.f32 v31, v1;
	[tilespmem:$0x1FF90] =	vst v5  }
0xcd: {  	[tilespmem:$0x1FDF0] =	vst v22  }
0xce: {  	v15 =	vld [tilespmem:s20+$0xFFFFFE40];
	[tilespmem:$0x1FCD0] =	vst v1;
	v1 =	vadd.f32 v24, v9  }
0xcf: {  	v23 =	vmax.f32 v13, $0.0e+00;
	v13 =	vld [tilespmem:s20+$0xFFFFFE50]  }
0xd0: {  	[tilespmem:$0x1FFB0] =	vst v1;
	v1 =	vld [tilespmem:$0x1FFD0]  }
0xd1: {  	v28 =	vmax.f32 v17, $0.0e+00;
	v53 =	vmax.f32 v49, $0.0e+00  }
0xd2: {  	v17 =	vadd.f32 v49, v6;
	v6 =	vmul.f32 v3, v45;
	v20 =	vmul.f32 v53, v4;
	_ =	sdelay $0x1  }
0xd3: {  	v37 =	vmax.f32 v8, $0.0e+00;
	v8 =	vadd.f32 v20, v6  }
0xd4: {  	v6 =	vmax.f32 v7, $0.0e+00;
	v7 =	vadd.f32 v15, v55;
	v24 =	vmul.f32 v3, v1;
	v1 =	vld [tilespmem:$0x1FFE0];
	_ =	sdelay $0x1  }
0xd5: {  	v29 =	vmax.f32 v29, $0.0e+00;
	v9 =	vld [tilespmem:s20+$0xFFFFFE30];
	[tilespmem:$0x1FD90] =	vst v7;
	v7 =	vadd.f32 v13, v40  }
0xd6: {  	v57 =	vmul.f32 v3, v52;
	v54 =	vmax.f32 v38, $0.0e+00;
	v29 =	vmul.f32 v29, v4  }
0xd7: {  	v31 =	vmul.f32 v54, v4;
	[tilespmem:$0x1FDC0] =	vst v7  }
0xd8: {  	v20 =	vmul.f32 v3, v1;
	v1 =	vadd.f32 v29, v57;
	v29 =	vmax.f32 v22, $0.0e+00;
	v22 =	vld [tilespmem:s20+$0xFFFFFEB0]  }
0xd9: {  	v5 =	vadd.f32 v31, v24  }
0xda: {  	[tilespmem:$0x1FB70] =	vst v8  }
0xdb: {  	[tilespmem:$0x1FB80] =	vst v5  }
0xdc: {  	[tilespmem:$0x1FB90] =	vst v1  }
0xdd: {  	v15 =	vmax.f32 v15, $0.0e+00;
	[tilespmem:$0x1FD10] =	vst v22  }
0xde: {  	v58 =	vmul.f32 v3, v19;
	v60 =	vmax.f32 v21, $0.0e+00;
	v15 =	vmul.f32 v15, v4;
	v21 =	vld [tilespmem:s20+$0xFFFFFF50]  }
0xdf: {  	v14 =	vadd.f32 v9, v42;
	v9 =	vmax.f32 v9, $0.0e+00;
	v7 =	vmax.f32 v13, $0.0e+00  }
0xe0: {  	v24 =	vmax.f32 v16, $0.0e+00;
	v7 =	vmul.f32 v7, v4;
	v16 =	vadd.f32 v15, v20  }
0xe1: {  	v9 =	vmul.f32 v9, v4;
	v3 =	vmul.f32 v3, v63  }
0xe2: {  	v13 =	vadd.f32 v7, v58;
	[tilespmem:$0x1FBA0] =	vst v16  }
0xe3: {  	v7 =	vmul.f32 v0, v8;
	v8 =	vadd.f32 v9, v3;
	[tilespmem:$0x1FE30] =	vst v21  }
0xe4: {  	v20 =	vmul.f32 v24, v4;
	v3 =	vmul.f32 v0, v5;
	v39 =	vld [tilespmem:s20+$0xFFFFFFA0];
	[tilespmem:$0x1FBB0] =	vst v13  }
0xe5: {  	[tilespmem:$0x1FBC0] =	vst v8  }
0xe6: {  	v5 =	vadd.f32 v20, v3;
	v3 =	vmul.f32 v6, v4;
	v6 =	vmul.f32 v0, v16;
	v16 =	vld [tilespmem:s20+$0xFFFFFFE0];
	_ =	sdelay $0x1  }
0xe7: {  	v15 =	vmul.f32 v23, v4;
	_ =	sdelay $0x1  }
0xe8: {  	v9 =	vmul.f32 v29, v4;
	v19 =	vadd.f32 v15, v7;
	v7 =	vmul.f32 v0, v1  }
0xe9: {  	[tilespmem:$0x1FEF0] =	vst v16  }
0xea: {  	v1 =	vadd.f32 v9, v7;
	v32 =	vld [tilespmem:s20+$0xFFFFFF30];
	[tilespmem:$0x1FBD0] =	vst v19  }
0xeb: {  	v20 =	vmul.f32 v0, v13;
	v13 =	vadd.f32 v3, v6;
	[tilespmem:$0x1FBE0] =	vst v5  }
0xec: {  	v7 =	vmul.f32 v60, v4;
	[tilespmem:$0x1FBF0] =	vst v1  }
0xed: {  	[tilespmem:$0x1FC00] =	vst v13  }
0xee: {  	v6 =	vadd.f32 v7, v20;
	v7 =	vmul.f32 v10, v19;
	v19 =	vld [tilespmem:s20+$0xFFFFFFF0];
	_ =	sdelay $0x2  }
0xef: {  	v9 =	vmax.f32 v22, $0.0e+00  }
0xf0: {  	v0 =	vmul.f32 v0, v8;
	v3 =	vmul.f32 v9, v4  }
0xf1: {  	[tilespmem:$0x1FEC0] =	vst v19  }
0xf2: {  	v9 =	vmul.f32 v10, v5;
	v5 =	vadd.f32 v3, v0;
	v3 =	vmul.f32 v10, v13;
	v13 =	vld [tilespmem:s20+$0x40];
	_ =	sdelay $0x2  }
0xf3: {  	v15 =	vmul.f32 v51, v4  }
0xf4: {  	v23 =	vmul.f32 v37, v4;
	v0 =	vmul.f32 v10, v1;
	v34 =	vld [tilespmem:s20+$0x20];
	[tilespmem:$0x1FC10] =	vst v6  }
0xf5: {  	v28 =	vmul.f32 v28, v4;
	v1 =	vadd.f32 v15, v9;
	v9 =	vmax.f32 v21, $0.0e+00;
	[tilespmem:$0x1FF10] =	vst v13  }
0xf6: {  	v60 =	vadd.f32 v23, v0;
	v0 =	vmul.f32 v9, v4;
	v9 =	vmax.f32 v16, $0.0e+00;
	v16 =	vld [tilespmem:s20+$0x60];
	_ =	sdelay $0x1  }
0xf7: {  	v11 =	vmul.f32 v11, v4;
	v7 =	vadd.f32 v28, v7;
	_ =	sdelay $0x1  }
0xf8: {  	v20 =	vmul.f32 v18, v7;
	v8 =	vadd.f32 v11, v3;
	[tilespmem:$0x1FC20] =	vst v5  }
0xf9: {  	v3 =	vmax.f32 v39, $0.0e+00;
	v11 =	vmul.f32 v10, v6;
	v10 =	vmul.f32 v10, v5;
	[tilespmem:$0x1FF30] =	vst v16  }
0xfa: {  	v24 =	vmul.f32 v18, v1;
	v9 =	vmul.f32 v9, v4;
	v15 =	vmax.f32 v32, $0.0e+00;
	v42 =	vld [tilespmem:s20+$0x70]  }
0xfb: {  	v3 =	vmul.f32 v3, v4;
	v6 =	vadd.f32 v0, v11;
	v0 =	vmul.f32 v15, v4;
	v35 =	vld [tilespmem:s20+$0xFFFFFFC0];
	[tilespmem:$0x1FC30] =	vst v7  }
0xfc: {  	v47 =	vmul.f32 v18, v8;
	v11 =	vmax.f32 v19, $0.0e+00;
	v5 =	vadd.f32 v9, v24;
	[tilespmem:$0x1FC40] =	vst v1  }
0xfd: {  	v1 =	vadd.f32 v0, v10;
	v0 =	vmul.f32 v11, v4;
	v10 =	vmul.f32 v18, v60;
	v23 =	vld [tilespmem:s20+$0xFFFFFFD0]  }
0xfe: {  	v41 =	vmul.f32 v18, v6;
	v7 =	vadd.f32 v3, v20;
	v3 =	vmax.f32 v34, $0.0e+00;
	v19 =	vld [tilespmem:s20+$0xFFFFFFB0]  }
0xff: {  	v54 =	vmul.f32 v33, v5;
	v3 =	vmul.f32 v3, v4;
	v21 =	vld [tilespmem:s20+$0xA0];
	v10 =	vadd.f32 v0, v10  }
0x100: {  	v0 =	vmax.f32 v13, $0.0e+00;
	v13 =	vld [tilespmem:s20+$0x50];
	[tilespmem:$0x1FC50] =	vst v1;
	v18 =	vmul.f32 v18, v1;
	v52 =	vmul.f32 v33, v7  }
0x101: {  	v1 =	vadd.f32 v56, v2;
	v9 =	vmul.f32 v0, v4;
	v0 =	vmax.f32 v16, $0.0e+00;
	v46 =	vld [tilespmem:s20+$0xE0]  }
0x102: {  	v53 =	vld [tilespmem:s20+$0x30];
	[tilespmem:$0x1FC60] =	vst v7;
	v63 =	vmul.f32 v0, v4;
	v55 =	vmul.f32 v33, v10;
	v24 =	vmax.f32 v42, $0.0e+00  }
0x103: {  	[tilespmem:$0x1FC70] =	vst v5;
	v38 =	vadd.f32 v3, v52;
	v0 =	vmax.f32 v35, $0.0e+00;
	v24 =	vmul.f32 v24, v4  }
0x104: {  	v44 =	vld [tilespmem:s20+$0xC0];
	v28 =	vmul.f32 v0, v4;
	v29 =	vmax.f32 v23, $0.0e+00;
	v49 =	vmax.f32 v19, $0.0e+00  }
0x105: {  	v43 =	vld [tilespmem:s20+$0xD0];
	v37 =	vadd.f32 v63, v54;
	v48 =	vmul.f32 v29, v4;
	v50 =	vmul.f32 v49, v4  }
0x106: {  	v3 =	vmax.f32 v13, $0.0e+00;
	v49 =	vmul.f32 v27, v38;
	v29 =	vadd.f32 v28, v47  }
0x107: {  	v31 =	vadd.f32 v24, v55;
	v3 =	vmul.f32 v3, v4;
	v24 =	vmax.f32 v46, $0.0e+00  }
0x108: {  	v63 =	vld [tilespmem:s20+$0xF0];
	v36 =	vmax.f32 v53, $0.0e+00;
	v28 =	vadd.f32 v48, v41;
	v18 =	vadd.f32 v50, v18  }
0x109: {  	v24 =	vmul.f32 v24, v4;
	v51 =	vmax.f32 v44, $0.0e+00;
	v57 =	vmul.f32 v33, v29  }
0x10a: {  	v52 =	vmax.f32 v43, $0.0e+00;
	v47 =	vmul.f32 v27, v31;
	v58 =	vmul.f32 v33, v28  }
0x10b: {  	v5 =	vld [tilespmem:s20+$0xB0];
	v33 =	vmul.f32 v33, v18;
	v40 =	vadd.f32 v9, v57;
	v9 =	vmax.f32 v21, $0.0e+00  }
0x10c: {  	v20 =	vmovc v6;
	v6 =	vld [tilespmem:s20+$0x120];
	v9 =	vmul.f32 v9, v4;
	v41 =	vadd.f32 v3, v58;
	v3 =	vmul.f32 v36, v4  }
0x10d: {  	v48 =	vmax.f32 v63, $0.0e+00;
	v57 =	vmul.f32 v27, v37;
	v58 =	vmul.f32 v27, v40  }
0x10e: {  	v45 =	vadd.f32 v3, v33;
	v3 =	vmul.f32 v48, v4;
	v54 =	vadd.f32 v9, v49  }
0x10f: {  	v49 =	vadd.f32 v24, v57;
	v24 =	vld [tilespmem:s20+$0x110];
	v57 =	vmul.f32 v52, v4;
	v0 =	vmul.f32 v27, v41  }
0x110: {  	v22 =	vld [tilespmem:s20+$0x160];
	v9 =	vmax.f32 v5, $0.0e+00;
	v33 =	vmul.f32 v51, v4;
	[tilespmem:$0x1FC80] =	vst v2;
	v48 =	vadd.f32 v3, v47  }
0x111: {  	s22 =	sadd.s32 $0xF, s22;
	v15 =	vmovc v8;
	v8 =	vld [tilespmem:s20+$0x130];
	v3 =	vmax.f32 v6, $0.0e+00;
	v55 =	vmul.f32 v30, v54;
	v57 =	vadd.f32 v57, v0  }
0x112: {  	v47 =	vld [tilespmem:s20+$0x170];
	[tilespmem:$0x1FC90] =	vst v1;
	v1 =	vadd.f32 v62, v1;
	v0 =	vmov s22;
	v3 =	vmul.f32 v3, v4  }
0x113: {  	v9 =	vmul.f32 v9, v4;
	v56 =	vadd.f32 v33, v58;
	v27 =	vmul.f32 v27, v45;
	v51 =	vld [tilespmem:s20+$0x140]  }
0x114: {  	v50 =	vld [tilespmem:s20+$0x150];
	[tilespmem:$0x1FCA0] =	vst v1;
	v1 =	vadd.f32 v59, v1;
	v62 =	vadd.f32 v3, v55;
	v3 =	vmax.f32 v24, $0.0e+00  }
0x115: {  	v58 =	vadd.f32 v9, v27;
	v36 =	vmul.f32 v3, v4;
	v3 =	vmax.f32 v22, $0.0e+00  }
0x116: {  	v27 =	vmul.f32 v30, v49;
	[tilespmem:$0x1FCB0] =	vst v1;
	v2 =	vadd.f32 v12, v1;
	v3 =	vmul.f32 v3, v4  }
0x117: {  	v12 =	vmax.f32 v47, $0.0e+00;
	v11 =	vld.idx.msk [tilespmem:v0+s16+$0x0], $0xffff  }
0x118: {  	[tilespmem:$0x1FCC0] =	vst v2;
	v59 =	vadd.f32 v3, v27;
	v3 =	vmul.f32 v12, v4;
	v12 =	vadd.f32 v61, v2;
	v2 =	vld [tilespmem:$0x1FCD0]  }
0x119: {  	v55 =	vld [tilespmem:s20+$0x1E0]  }
0x11a: {  	v1 =	vmul.f32 v30, v48;
	v0 =	vmax.f32 v50, $0.0e+00  }
0x11b: {  	v27 =	vmax.f32 v51, $0.0e+00;
	v0 =	vmul.f32 v0, v4  }
0x11c: {  	v61 =	vadd.f32 v3, v1;
	v1 =	vmul.f32 v27, v4;
	v3 =	vmul.f32 v30, v56  }
0x11d: {  	v26 =	vadd.f32 v24, v12;
	v7 =	vadd.f32 v2, v12;
	v12 =	vmul.f32 v30, v2  }
0x11e: {  	v24 =	vmul.f32 v30, v57;
	v3 =	vadd.f32 v1, v3;
	v1 =	vmax.f32 v55, $0.0e+00  }
0x11f: {  	v25 =	vld [tilespmem:s20+$0x1F0];
	v1 =	vmul.f32 v1, v4;
	v12 =	vadd.f32 v36, v12;
	v36 =	vmul.f32 v11, v59  }
0x120: {  	v24 =	vadd.f32 v0, v24;
	v0 =	vld [tilespmem:$0x1FCF0];
	[tilespmem:$0x1FFC0] =	vst v7  }
0x121: {  	v9 =	vmax.f32 v8, $0.0e+00;
	v52 =	vld [tilespmem:s20+$0x1C0];
	v1 =	vadd.f32 v1, v36  }
0x122: {  	v9 =	vmul.f32 v9, v4;
	v30 =	vmul.f32 v30, v58;
	v16 =	vld [tilespmem:s20+$0x1D0]  }
0x123: {  	[tilespmem:$0x1FFD0] =	vst v1;
	v1 =	vld [tilespmem:$0x1FD10]  }
0x124: {  	v9 =	vadd.f32 v9, v30;
	v30 =	vmax.f32 v25, $0.0e+00  }
0x125: {  	v30 =	vmul.f32 v30, v4;
	v2 =	vadd.f32 v0, v17;
	v0 =	vmul.f32 v11, v61;
	_ =	sdelay $0x1  }
0x126: {  	v0 =	vadd.f32 v30, v0  }
0x127: {  	[tilespmem:$0x1FD00] =	vst v14;
	v14 =	vadd.f32 v1, v14;
	v1 =	vmax.f32 v52, $0.0e+00  }
0x128: {  	[tilespmem:$0x1FFA0] =	vst v0;
	v0 =	vmul.f32 v1, v4;
	v1 =	vld [tilespmem:$0x1FD30];
	_ =	sdelay $0x4  }
0x129: {  	[tilespmem:$0x1FCE0] =	vst v17;
	v17 =	vadd.f32 v1, v2  }
0x12a: {  	[tilespmem:$0x1FD20] =	vst v2;
	v30 =	vmul.f32 v11, v3;
	v2 =	vadd.f32 v32, v14;
	v1 =	vmax.f32 v16, $0.0e+00  }
0x12b: {  	v1 =	vmul.f32 v1, v4;
	v7 =	vadd.f32 v39, v17;
	v39 =	vmul.f32 v11, v24  }
0x12c: {  	[tilespmem:$0x1FD50] =	vst v17;
	v17 =	vadd.f32 v0, v30;
	v0 =	vadd.f32 v19, v2  }
0x12d: {  	[tilespmem:$0x1FD40] =	vst v14;
	v14 =	vadd.f32 v1, v39;
	v1 =	vld [tilespmem:$0x1FD90]  }
0x12e: {  	[tilespmem:$0x1FD80] =	vst v0;
	v30 =	vadd.f32 v53, v0;
	v0 =	vld [tilespmem:$0x1FDA0];
	_ =	sdelay $0x1  }
0x12f: {  	[tilespmem:$0x1FD60] =	vst v2;
	v2 =	vadd.f32 v34, v7;
	_ =	sdelay $0x1  }
0x130: {  	[tilespmem:$0x1FDB0] =	vst v2;
	v21 =	vadd.f32 v21, v2;
	v2 =	vld [tilespmem:$0x1FDC0]  }
0x131: {  	v1 =	vadd.f32 v0, v1;
	v0 =	vld [tilespmem:$0x1FDD0];
	_ =	sdelay $0x3  }
0x132: {  	[tilespmem:$0x1FD70] =	vst v7;
	v7 =	vadd.f32 v5, v30;
	v5 =	vld [tilespmem:$0x1FDF0]  }
0x133: {  	v0 =	vadd.f32 v0, v2;
	v2 =	vld [tilespmem:$0x1FDE0];
	_ =	sdelay $0x4  }
0x134: {  	v2 =	vadd.f32 v5, v2;
	v5 =	vld [tilespmem:$0x1FE10];
	_ =	sdelay $0x4  }
0x135: {  	[tilespmem:$0x1FE00] =	vst v1;
	v5 =	vadd.f32 v5, v1;
	v1 =	vld [tilespmem:$0x1FE30];
	_ =	sdelay $0x4  }
0x136: {  	[tilespmem:$0x1FE20] =	vst v0;
	v34 =	vadd.f32 v1, v0;
	v0 =	vld [tilespmem:$0x1FE40]  }
0x137: {  	v1 =	vld [tilespmem:$0x1FE50];
	_ =	sdelay $0x4  }
0x138: {  	v1 =	vadd.f32 v1, v0;
	v0 =	vld [tilespmem:$0x1FE70]  }
0x139: {  	v33 =	vadd.f32 v6, v21;
	[tilespmem:$0x1FE80] =	vst v5;
	v6 =	vadd.f32 v35, v5;
	v5 =	vld [tilespmem:$0x1FEA0];
	_ =	sdelay $0x2  }
0x13a: {  	[tilespmem:$0x1FE60] =	vst v2  }
0x13b: {  	v2 =	vadd.f32 v0, v2;
	v0 =	vld [tilespmem:s20+$0x180]  }
0x13c: {  	[tilespmem:$0x1FE90] =	vst v1;
	v1 =	vadd.f32 v5, v1;
	v5 =	vld [tilespmem:$0x1FEC0];
	_ =	sdelay $0x3  }
0x13d: {  	v39 =	vadd.f32 v8, v7;
	[tilespmem:$0x1FED0] =	vst v7;
	v7 =	vld [tilespmem:$0x1FEF0]  }
0x13e: {  	v35 =	vadd.f32 v5, v2;
	v5 =	vld [tilespmem:$0x1FF10];
	_ =	sdelay $0x1  }
0x13f: {  	[tilespmem:$0x1FEB0] =	vst v2  }
0x140: {  	v8 =	vld [tilespmem:s20+$0x190];
	[tilespmem:$0x1FEE0] =	vst v1  }
0x141: {  	[tilespmem:$0x1FF00] =	vst v6;
	v1 =	vadd.f32 v7, v1;
	v7 =	vadd.f32 v42, v35  }
0x142: {  	v27 =	vadd.f32 v23, v34;
	v19 =	vadd.f32 v5, v6;
	v6 =	vld [tilespmem:s20+$0x1A0]  }
0x143: {  	v2 =	vld [tilespmem:$0x1FF30];
	v42 =	vadd.f32 v63, v7  }
0x144: {  	v13 =	vadd.f32 v13, v27  }
0x145: {  	[tilespmem:$0x1FF20] =	vst v1;
	v47 =	vadd.f32 v47, v42  }
0x146: {  	v43 =	vadd.f32 v43, v13;
	[tilespmem:$0x1FF40] =	vst v7  }
0x147: {  	v32 =	vmax.f32 v0, $0.0e+00;
	[tilespmem:$0x1FF60] =	vst v13;
	v13 =	vadd.f32 v25, v47;
	v25 =	vmax.f32 v6, $0.0e+00  }
0x148: {  	v5 =	vadd.f32 v2, v1;
	v7 =	vmul.f32 v32, v4;
	v32 =	vld [tilespmem:$0x1FF90];
	[tilespmem:$0x1FF50] =	vst v19;
	v1 =	vmul.f32 v25, v4  }
0x149: {  	v63 =	vld [tilespmem:s20+$0x1B0]  }
0x14a: {  	[tilespmem:$0x1FF70] =	vst v1;
	v1 =	vld [tilespmem:$0x1FF80];
	_ =	sdelay $0x4  }
0x14b: {  	v23 =	vadd.f32 v0, v1;
	v0 =	vadd.f32 v32, v1;
	_ =	sdelay $0x1  }
0x14c: {  	[tilespmem:s20+$0x100] =	vst v0  }
0x14d: {  	v0 =	vld [tilespmem:$0x1FFB0]  }
0x14e: {  	v50 =	vadd.f32 v50, v43;
	v44 =	vadd.f32 v44, v19  }
0x14f: {  	v46 =	vadd.f32 v46, v5  }
0x150: {  	v51 =	vadd.f32 v51, v44;
	v1 =	vadd.f32 v16, v50;
	v16 =	vmax.f32 v63, $0.0e+00  }
0x151: {  	v53 =	vadd.f32 v22, v46  }
0x152: {  	v19 =	vadd.f32 v52, v51;
	v52 =	vld [tilespmem:$0x1FFA0];
	[tilespmem:s20+$0x80] =	vst v0  }
0x153: {  	v25 =	vadd.f32 v55, v53;
	v55 =	vmul.f32 v16, v4;
	v16 =	vmovc v14;
	v14 =	vmov v17;
	v17 =	vld [tilespmem:$0x1FFC0];
	_ =	sdelay $0x1  }
0x154: {  	v36 =	vmax.f32 v8, $0.0e+00  }
0x155: {  	v36 =	vmul.f32 v36, v4;
	v22 =	vadd.f32 v6, v33  }
0x156: {  	v6 =	vmul.f32 v11, v62;
	v2 =	vadd.f32 v63, v39;
	v0 =	vmul.f32 v11, v32;
	v32 =	vmovc v26  }
0x157: {  	s23 =	sadd.s32 $0x400, s20;
	s22 =	simm.s32 $0x0;
	v26 =	vadd.f32 v8, v26;
	v8 =	vmul.f32 v11, v9;
	v11 =	vmul.f32 v11, v12;
	[tilespmem:s20+$0x90] =	vst v17  }
.LBB2_5:
0x158: {  	[tilespmem:$0x1FFE0] =	vst v14  }
0x159: {  	[tilespmem:$0x1FFA0] =	vst v52  }
0x15a: {  	[tilespmem:$0x1F370] =	vst v22  }
0x15b: {  	[tilespmem:$0x1F350] =	vst v23  }
0x15c: {  	[tilespmem:$0x1F360] =	vst v26  }
0x15d: {  	[tilespmem:$0x1F450] =	vst v19  }
0x15e: {  	v17 =	vld [tilespmem:s23+$0x180];
	[tilespmem:$0x1F590] =	vst v25  }
0x15f: {  	[tilespmem:$0x1F560] =	vst v13;
	v63 =	vld [tilespmem:s23+$0x1F0]  }
0x160: {  	[tilespmem:$0x1F890] =	vst v16  }
0x161: {  	[tilespmem:$0x1F490] =	vst v1;
	v16 =	vadd.f32 v16, v1;
	v1 =	vld [tilespmem:$0x1FFD0]  }
0x162: {  	[tilespmem:$0x1F380] =	vst v2;
	v7 =	vadd.f32 v7, v0;
	v0 =	vld [tilespmem:s23+$0x1A0]  }
0x163: {  	[tilespmem:$0x1F810] =	vst v17;
	v17 =	vld [tilespmem:$0x1FF70]  }
0x164: {  	v11 =	vadd.f32 v36, v11;
	v36 =	vld [tilespmem:s23+$0x1B0];
	[tilespmem:$0x1F760] =	vst v63  }
0x165: {  	[tilespmem:$0x1F4B0] =	vst v7  }
0x166: {  	[tilespmem:$0x1F570] =	vst v11  }
0x167: {  	[tilespmem:$0x1FFD0] =	vst v1  }
0x168: {  	[tilespmem:$0x1F7D0] =	vst v0;
	v17 =	vadd.f32 v17, v6  }
0x169: {  	[tilespmem:$0x1F790] =	vst v36;
	v6 =	vadd.f32 v55, v8;
	v8 =	vld [tilespmem:s23+$0x190]  }
0x16a: {  	v11 =	vadd.f32 v11, v26;
	[tilespmem:$0x1F880] =	vst v17  }
0x16b: {  	[tilespmem:$0x1F8A0] =	vst v6;
	v0 =	vadd.f32 v17, v22  }
0x16c: {  	v6 =	vadd.f32 v6, v2;
	v2 =	vld [tilespmem:s23+$0x1C0];
	[tilespmem:s20+$0x190] =	vst v11  }
0x16d: {  	[tilespmem:s20+$0x1A0] =	vst v0  }
0x16e: {  	v26 =	vmov v20;
	[tilespmem:$0x1F7F0] =	vst v8;
	v20 =	vld [tilespmem:s23+$0x1D0]  }
0x16f: {  	v0 =	vadd.f32 v14, v19;
	v8 =	vadd.f32 v7, v23;
	v23 =	vld [tilespmem:s23+$0x1E0];
	[tilespmem:s20+$0x1B0] =	vst v6  }
0x170: {  	[tilespmem:s20+$0x1D0] =	vst v16  }
0x171: {  	v7 =	vmov v34;
	v34 =	vld [tilespmem:s23+$0x120];
	[tilespmem:s20+$0x1C0] =	vst v0  }
0x172: {  	[tilespmem:s20+$0x180] =	vst v8;
	v8 =	vadd.f32 v1, v25;
	v1 =	vld [tilespmem:s23+$0x100]  }
0x173: {  	[tilespmem:$0x1F7A0] =	vst v2;
	v25 =	vadd.f32 v52, v13;
	v13 =	vmov v27;
	v27 =	vld [tilespmem:s23+$0x110]  }
0x174: {  	[tilespmem:$0x1F770] =	vst v20  }
0x175: {  	[tilespmem:$0x1F780] =	vst v23  }
0x176: {  	[tilespmem:$0x1F530] =	vst v34  }
0x177: {  	[tilespmem:$0x1F210] =	vst v1  }
0x178: {  	[tilespmem:$0x1F440] =	vst v27  }
0x179: {  	v1 =	vld [tilespmem:$0x1FED0];
	_ =	sdelay $0x3  }
0x17a: {  	v17 =	vld [tilespmem:$0x1FB50]  }
0x17b: {  	v16 =	vadd.f32 v58, v1;
	v1 =	vld [tilespmem:$0x1FB20];
	_ =	sdelay $0x3  }
0x17c: {  	v2 =	vld [tilespmem:$0x1FCC0]  }
0x17d: {  	v9 =	vadd.f32 v9, v39;
	v39 =	vadd.f32 v1, v17;
	v1 =	vld [tilespmem:$0x1FB60];
	_ =	sdelay $0x2  }
0x17e: {  	v12 =	vadd.f32 v12, v32;
	v19 =	vld [tilespmem:s23+$0x130]  }
0x17f: {  	[tilespmem:s20+$0x1F0] =	vst v25;
	v25 =	vld [tilespmem:s23+$0x140]  }
0x180: {  	[tilespmem:s20+$0x110] =	vst v12;
	v12 =	vadd.f32 v1, v2;
	v1 =	vld [tilespmem:$0x1FDB0];
	_ =	sdelay $0x4  }
0x181: {  	[tilespmem:s20+$0x1E0] =	vst v8;
	v8 =	vadd.f32 v57, v43;
	v43 =	vadd.f32 v38, v1;
	v1 =	vld [tilespmem:$0x1FF50];
	_ =	sdelay $0x3  }
0x182: {  	v42 =	vadd.f32 v48, v42;
	v6 =	vadd.f32 v24, v50;
	v48 =	vld [tilespmem:s23+$0x150]  }
0x183: {  	v24 =	vadd.f32 v56, v44;
	v44 =	vadd.f32 v40, v1;
	v1 =	vld [tilespmem:$0x1FF60]  }
0x184: {  	v0 =	vadd.f32 v54, v21;
	v21 =	vadd.f32 v61, v47;
	v47 =	vld [tilespmem:s23+$0x160]  }
0x185: {  	v3 =	vadd.f32 v3, v51;
	v2 =	vld [tilespmem:$0x1FB30]  }
0x186: {  	v40 =	vld [tilespmem:s23+$0x170]  }
0x187: {  	[tilespmem:s20+$0x140] =	vst v3;
	v3 =	vld [tilespmem:$0x1FAE0]  }
0x188: {  	v41 =	vadd.f32 v41, v1;
	v1 =	vld [tilespmem:$0x1FF40];
	_ =	sdelay $0x3  }
0x189: {  	v3 =	vadd.f32 v3, v2;
	v2 =	vld [tilespmem:$0x1FB40]  }
0x18a: {  	v14 =	vadd.f32 v31, v1;
	v1 =	vld [tilespmem:$0x1FCB0];
	_ =	sdelay $0x4  }
0x18b: {  	v32 =	vadd.f32 v49, v46;
	v49 =	vadd.f32 v2, v1;
	v1 =	vld [tilespmem:$0x1FD70]  }
0x18c: {  	v2 =	vld [tilespmem:$0x1FC60];
	_ =	sdelay $0x4  }
0x18d: {  	v51 =	vadd.f32 v2, v1;
	v1 =	vld [tilespmem:$0x1FD80];
	_ =	sdelay $0x4  }
0x18e: {  	v18 =	vadd.f32 v18, v1;
	v1 =	vld [tilespmem:$0x1FF00];
	_ =	sdelay $0x2  }
0x18f: {  	v11 =	vadd.f32 v59, v53;
	v53 =	vld [tilespmem:s23+$0x80]  }
0x190: {  	v2 =	vld [tilespmem:$0x1FF20]  }
0x191: {  	v38 =	vadd.f32 v29, v1;
	v1 =	vld [tilespmem:$0x1FC70]  }
0x192: {  	v52 =	vld [tilespmem:s23+$0xA0]  }
0x193: {  	v56 =	vld [tilespmem:s23+$0xB0]  }
0x194: {  	v17 =	vld [tilespmem:s23+$0x90]  }
0x195: {  	[tilespmem:s20+$0xA0] =	vst v0;
	v0 =	vld [tilespmem:$0x1FB10]  }
0x196: {  	v22 =	vadd.f32 v1, v2;
	v1 =	vld [tilespmem:$0x1FAB0];
	_ =	sdelay $0x4  }
0x197: {  	v57 =	vadd.f32 v1, v0;
	v0 =	vld [tilespmem:$0x1FB00]  }
0x198: {  	v1 =	vld [tilespmem:$0x1FCA0];
	_ =	sdelay $0x4  }
0x199: {  	v54 =	vadd.f32 v10, v35;
	v35 =	vadd.f32 v0, v1;
	v0 =	vld [tilespmem:$0x1FD50]  }
0x19a: {  	v1 =	vld [tilespmem:$0x1FC30];
	_ =	sdelay $0x4  }
0x19b: {  	v2 =	vadd.f32 v1, v0;
	v0 =	vld [tilespmem:$0x1FD60]  }
0x19c: {  	v1 =	vld [tilespmem:$0x1FC50];
	_ =	sdelay $0x4  }
0x19d: {  	v1 =	vadd.f32 v1, v0;
	v0 =	vld [tilespmem:$0x1FE80];
	_ =	sdelay $0x3  }
0x19e: {  	v55 =	vmov v15  }
0x19f: {  	v0 =	vadd.f32 v55, v0;
	_ =	sdelay $0x1  }
0x1a0: {  	[tilespmem:$0x1F220] =	vst v0;
	v0 =	vadd.f32 v26, v7  }
0x1a1: {  	v37 =	vadd.f32 v37, v5;
	v5 =	vld [tilespmem:$0x1FEE0]  }
0x1a2: {  	[tilespmem:$0x1F230] =	vst v0;
	v0 =	vld [tilespmem:$0x1FC40];
	_ =	sdelay $0x4  }
0x1a3: {  	v0 =	vadd.f32 v0, v5  }
0x1a4: {  	v5 =	vld [tilespmem:$0x1FA90]  }
0x1a5: {  	[tilespmem:$0x1F240] =	vst v0;
	v0 =	vld [tilespmem:$0x1FAF0];
	_ =	sdelay $0x4  }
0x1a6: {  	v58 =	vadd.f32 v5, v0;
	v0 =	vld [tilespmem:$0x1FEB0]  }
0x1a7: {  	[tilespmem:s20+$0x150] =	vst v6;
	v6 =	vld [tilespmem:$0x1FC90]  }
0x1a8: {  	v5 =	vld [tilespmem:$0x1FAC0];
	_ =	sdelay $0x2  }
0x1a9: {  	v0 =	vadd.f32 v60, v0;
	_ =	sdelay $0x1  }
0x1aa: {  	[tilespmem:$0x1F250] =	vst v0;
	v0 =	vadd.f32 v5, v6;
	v5 =	vld [tilespmem:$0x1FD20]  }
0x1ab: {  	v6 =	vld [tilespmem:$0x1FBD0];
	_ =	sdelay $0x4  }
0x1ac: {  	[tilespmem:$0x1F260] =	vst v0;
	v0 =	vadd.f32 v6, v5;
	v5 =	vld [tilespmem:$0x1FD40]  }
0x1ad: {  	v6 =	vld [tilespmem:$0x1FC20];
	_ =	sdelay $0x4  }
0x1ae: {  	[tilespmem:$0x1F270] =	vst v0;
	v0 =	vadd.f32 v6, v5;
	v5 =	vld [tilespmem:$0x1FC00]  }
0x1af: {  	v6 =	vld [tilespmem:$0x1FE00];
	_ =	sdelay $0x4  }
0x1b0: {  	[tilespmem:$0x1F280] =	vst v0;
	v0 =	vadd.f32 v5, v6;
	v5 =	vld [tilespmem:$0x1FC10]  }
0x1b1: {  	v6 =	vld [tilespmem:$0x1FE20];
	_ =	sdelay $0x4  }
0x1b2: {  	[tilespmem:$0x1F290] =	vst v0;
	v0 =	vadd.f32 v5, v6;
	v5 =	vld [tilespmem:$0x1FBE0]  }
0x1b3: {  	v6 =	vld [tilespmem:$0x1FE90];
	_ =	sdelay $0x4  }
0x1b4: {  	[tilespmem:$0x1F2A0] =	vst v0;
	v0 =	vadd.f32 v5, v6;
	v5 =	vld [tilespmem:$0x1FAD0]  }
0x1b5: {  	v6 =	vld [tilespmem:$0x1FA80];
	_ =	sdelay $0x4  }
0x1b6: {  	[tilespmem:$0x1F2B0] =	vst v0;
	v0 =	vadd.f32 v6, v5;
	v5 =	vld [tilespmem:$0x1FBF0]  }
0x1b7: {  	v6 =	vld [tilespmem:$0x1FE60];
	_ =	sdelay $0x4  }
0x1b8: {  	[tilespmem:$0x1F2D0] =	vst v0;
	v0 =	vadd.f32 v5, v6;
	v5 =	vld [tilespmem:$0x1FC80]  }
0x1b9: {  	v6 =	vld [tilespmem:$0x1FAA0];
	_ =	sdelay $0x4  }
0x1ba: {  	[tilespmem:$0x1F2C0] =	vst v0;
	v0 =	vadd.f32 v6, v5;
	v5 =	vld [tilespmem:$0x1FCE0]  }
0x1bb: {  	v6 =	vld [tilespmem:$0x1FB70]  }
0x1bc: {  	v33 =	vadd.f32 v62, v33;
	_ =	sdelay $0x1  }
0x1bd: {  	[tilespmem:s20+$0x120] =	vst v33  }
0x1be: {  	[tilespmem:s20+$0x130] =	vst v9;
	v9 =	vld [tilespmem:s23+$0x0]  }
0x1bf: {  	[tilespmem:$0x1F2E0] =	vst v0;
	v0 =	vadd.f32 v6, v5;
	v5 =	vld [tilespmem:$0x1FD00]  }
0x1c0: {  	[tilespmem:$0x1F550] =	vst v19;
	v6 =	vld [tilespmem:$0x1FBC0]  }
0x1c1: {  	[tilespmem:$0x1F740] =	vst v47  }
0x1c2: {  	v10 =	vld [tilespmem:s23+$0x10];
	[tilespmem:$0x1F4E0] =	vst v56  }
0x1c3: {  	v15 =	vld [tilespmem:s23+$0xC0];
	[tilespmem:s20+$0xB0] =	vst v16  }
0x1c4: {  	[tilespmem:$0x1F390] =	vst v9;
	v62 =	vld [tilespmem:s23+$0xD0]  }
0x1c5: {  	[tilespmem:$0x1F2F0] =	vst v0;
	v0 =	vadd.f32 v6, v5;
	v5 =	vld [tilespmem:$0x1FD90]  }
0x1c6: {  	[tilespmem:s20+$0x0] =	vst v39;
	v6 =	vld [tilespmem:$0x1FBA0]  }
0x1c7: {  	v33 =	vadd.f32 v45, v30;
	[tilespmem:s20+$0xC0] =	vst v24;
	v30 =	vld [tilespmem:s23+$0x20]  }
0x1c8: {  	[tilespmem:$0x1F660] =	vst v15  }
0x1c9: {  	[tilespmem:$0x1F680] =	vst v62  }
0x1ca: {  	v46 =	vld [tilespmem:s23+$0xFFFFFF80];
	[tilespmem:s20+$0x10] =	vst v12  }
0x1cb: {  	[tilespmem:$0x1F300] =	vst v0;
	v0 =	vadd.f32 v6, v5;
	v5 =	vld [tilespmem:$0x1FDC0]  }
0x1cc: {  	[tilespmem:$0x1F480] =	vst v30;
	v6 =	vld [tilespmem:$0x1FBB0]  }
0x1cd: {  	v61 =	vld [tilespmem:s23+$0xFFFFFF90];
	[tilespmem:s20+$0x170] =	vst v21  }
0x1ce: {  	v21 =	vld [tilespmem:s23+$0xE0];
	[tilespmem:s20+$0xD0] =	vst v8  }
0x1cf: {  	v28 =	vadd.f32 v28, v13;
	v13 =	vld [tilespmem:s23+$0xF0];
	[tilespmem:s20+$0xFFFFFF80] =	vst v3  }
0x1d0: {  	[tilespmem:s20+$0x160] =	vst v11;
	v50 =	vld [tilespmem:s23+$0xFFFFFFA0]  }
0x1d1: {  	[tilespmem:$0x1F310] =	vst v0;
	v0 =	vadd.f32 v6, v5;
	v5 =	vld [tilespmem:$0x1FE40]  }
0x1d2: {  	[tilespmem:s20+$0xF0] =	vst v42;
	v6 =	vld [tilespmem:$0x1FB80]  }
0x1d3: {  	[tilespmem:s20+$0xFFFFFF90] =	vst v49  }
0x1d4: {  	[tilespmem:$0x1F710] =	vst v40;
	v8 =	vld [tilespmem:s23+$0xFFFFFFB0]  }
0x1d5: {  	s24 =	sadd.s32 s22, s21;
	[tilespmem:s20+$0xFFFFFFA0] =	vst v51  }
0x1d6: {  	s26 =	sadd.s32 $0xF, s24;
	[tilespmem:$0x1F410] =	vst v50;
	v51 =	vld [tilespmem:s23+$0xFFFFFFC0]  }
0x1d7: {  	[tilespmem:$0x1F320] =	vst v0;
	v0 =	vadd.f32 v6, v5;
	v5 =	vmov s26;
	v6 =	vld [tilespmem:$0x1FB90]  }
0x1d8: {  	[tilespmem:$0x1F7C0] =	vst v5;
	v5 =	vld [tilespmem:$0x1FDE0]  }
0x1d9: {  	[tilespmem:$0x1F430] =	vst v8  }
0x1da: {  	s25 =	sadd.s32 $0xE, s24;
	[tilespmem:s20+$0xFFFFFFB0] =	vst v18  }
0x1db: {  	s28 =	sadd.s32 $0xB, s24;
	s29 =	sadd.s32 $0xC, s24;
	s30 =	sadd.s32 $0xD, s24;
	[tilespmem:$0x1F540] =	vst v51  }
0x1dc: {  	s31 =	sadd.s32 $0x9, s24;
	v55 =	vld [tilespmem:s23+$0x30];
	[tilespmem:s20+$0x20] =	vst v43;
	s26 =	sadd.s32 $0x8, s24;
	s24 =	sadd.s32 $0xA, s24  }
0x1dd: {  	v31 =	vmov s24;
	[tilespmem:$0x1F330] =	vst v0;
	v0 =	vadd.f32 v6, v5  }
0x1de: {  	v45 =	vld [tilespmem:s23+$0x40];
	[tilespmem:s20+$0x30] =	vst v33;
	v31 =	vand.u32 $0xFFFFFFFA, v31  }
0x1df: {  	v12 =	vmov s28;
	[tilespmem:$0x1F340] =	vst v0;
	v0 =	vbroadcast v31, $0x0  }
0x1e0: {  	v12 =	vand.u32 $0xFFFFFFFB, v12;
	v16 =	vld [tilespmem:s23+$0x50];
	[tilespmem:s20+$0x40] =	vst v44  }
0x1e1: {  	v3 =	vmov s26;
	[tilespmem:$0x1F500] =	vst v0;
	v0 =	vbroadcast v12, $0x0  }
0x1e2: {  	v39 =	vld [tilespmem:s23+$0x60];
	[tilespmem:s20+$0x50] =	vst v41;
	v3 =	vand.u32 $0xFFFFFFF8, v3  }
0x1e3: {  	[tilespmem:$0x1F5B0] =	vst v0;
	v0 =	vbroadcast v3, $0x0;
	v3 =	vld [tilespmem:$0x1F810]  }
0x1e4: {  	v44 =	vld [tilespmem:s23+$0x70];
	[tilespmem:s20+$0x60] =	vst v37  }
0x1e5: {  	v7 =	vmov s25;
	[tilespmem:s20+$0x70] =	vst v14  }
0x1e6: {  	v29 =	vmov s31;
	v7 =	vand.u32 $0xFFFFFFFE, v7;
	[tilespmem:$0x1F4A0] =	vst v55  }
0x1e7: {  	v49 =	vld [tilespmem:s23+$0xFFFFFF00];
	[tilespmem:$0x1F5D0] =	vst v45;
	v5 =	vbroadcast v7, $0x0;
	v7 =	vand.u32 $0xFFFFFFF9, v29  }
0x1e8: {  	v14 =	vmov s29;
	[tilespmem:$0x1F3B0] =	vst v0;
	v0 =	vbroadcast v7, $0x0;
	v7 =	vmax.f32 v3, $0.0e+00;
	v3 =	vld [tilespmem:$0x1F7F0]  }
0x1e9: {  	v26 =	vmov s30;
	v43 =	vand.u32 $0xFFFFFFFC, v14;
	v6 =	vld [tilespmem:s23+$0xFFFFFFD0];
	[tilespmem:s20+$0xFFFFFFC0] =	vst v38  }
0x1ea: {  	v29 =	vmax.f32 v56, $0.0e+00;
	v56 =	vmax.f32 v9, $0.0e+00;
	v9 =	vld [tilespmem:$0x1F250];
	[tilespmem:$0x1F730] =	vst v5;
	v5 =	vbroadcast v43, $0x0  }
0x1eb: {  	v26 =	vand.u32 $0xFFFFFFFD, v26;
	[tilespmem:$0x1F460] =	vst v0;
	v0 =	vld [tilespmem:$0x1F7A0]  }
0x1ec: {  	v11 =	vld [tilespmem:s23+$0xFFFFFFE0];
	[tilespmem:$0x1F620] =	vst v5;
	v5 =	vbroadcast v26, $0x0  }
0x1ed: {  	[tilespmem:s20+$0xFFFFFFD0] =	vst v28;
	v14 =	vmax.f32 v3, $0.0e+00;
	v3 =	vld [tilespmem:$0x1F7D0]  }
0x1ee: {  	[tilespmem:$0x1F6B0] =	vst v5;
	v5 =	vld [tilespmem:s23+$0xFFFFFFF0]  }
0x1ef: {  	[tilespmem:s20+$0xFFFFFFF0] =	vst v54;
	v54 =	vld [tilespmem:s23+$0xFFFFFF10]  }
0x1f0: {  	v18 =	vmax.f32 v36, $0.0e+00;
	[tilespmem:s20+$0xFFFFFF00] =	vst v57;
	v36 =	vmax.f32 v0, $0.0e+00;
	v0 =	vld [tilespmem:$0x1F220]  }
0x1f1: {  	[tilespmem:s20+$0xFFFFFFE0] =	vst v22;
	v60 =	vld [tilespmem:s23+$0xFFFFFF20]  }
0x1f2: {  	[tilespmem:s20+$0xFFFFFF10] =	vst v35;
	v38 =	vmax.f32 v3, $0.0e+00;
	v3 =	vld [tilespmem:$0x1F230]  }
0x1f3: {  	v22 =	vmax.f32 v20, $0.0e+00;
	v20 =	vmax.f32 v63, $0.0e+00;
	v63 =	vld [tilespmem:s23+$0xFFFFFF30];
	[tilespmem:s20+$0xFFFFFF20] =	vst v2  }
0x1f4: {  	v2 =	vld [tilespmem:s23+$0xFFFFFF40];
	[tilespmem:s20+$0xFFFFFF30] =	vst v1  }
0x1f5: {  	v1 =	vld [tilespmem:s23+$0xFFFFFF50];
	[tilespmem:s20+$0xFFFFFF40] =	vst v0  }
0x1f6: {  	[tilespmem:$0x1F5F0] =	vst v16;
	v0 =	vld [tilespmem:s23+$0xFFFFFF60]  }
0x1f7: {  	[tilespmem:s20+$0xFFFFFF50] =	vst v3;
	v3 =	vld [tilespmem:$0x1F240]  }
0x1f8: {  	v42 =	vmax.f32 v15, $0.0e+00;
	[tilespmem:$0x1F6A0] =	vst v39;
	v15 =	vld [tilespmem:s23+$0xFFFFFF70]  }
0x1f9: {  	v33 =	vmax.f32 v45, $0.0e+00;
	v45 =	vmax.f32 v39, $0.0e+00;
	[tilespmem:s20+$0xFFFFFF70] =	vst v9;
	v9 =	vld [tilespmem:$0x1F260]  }
0x1fa: {  	v39 =	vmax.f32 v50, $0.0e+00;
	v50 =	vmax.f32 v8, $0.0e+00;
	v8 =	vld [tilespmem:$0x1F270];
	[tilespmem:$0x1F640] =	vst v5;
	v5 =	vmax.f32 v5, $0.0e+00  }
0x1fb: {  	[tilespmem:$0x1F3E0] =	vst v5;
	v5 =	vld [tilespmem:$0x1F280]  }
0x1fc: {  	v12 =	vld [tilespmem:s23+$0xFFFFFE90];
	[tilespmem:s20+$0xFFFFFF60] =	vst v3  }
0x1fd: {  	v3 =	vld [tilespmem:s23+$0xFFFFFE80];
	[tilespmem:s20+$0xFFFFFE80] =	vst v58  }
0x1fe: {  	v37 =	vld [tilespmem:s23+$0xFFFFFEA0];
	[tilespmem:s20+$0xFFFFFE90] =	vst v9  }
0x1ff: {  	v31 =	vmax.f32 v47, $0.0e+00;
	v47 =	vmax.f32 v30, $0.0e+00;
	v30 =	vmax.f32 v16, $0.0e+00;
	v16 =	vld [tilespmem:s23+$0xFFFFFEB0];
	[tilespmem:s20+$0xFFFFFEA0] =	vst v8  }
0x200: {  	v26 =	vmax.f32 v19, $0.0e+00;
	v19 =	vld [tilespmem:s23+$0xFFFFFEC0];
	[tilespmem:s20+$0xFFFFFEB0] =	vst v5;
	v5 =	vmax.f32 v49, $0.0e+00  }
0x201: {  	[tilespmem:$0x1F400] =	vst v5;
	v5 =	vmax.f32 v54, $0.0e+00  }
0x202: {  	[tilespmem:$0x1F420] =	vst v5;
	v5 =	vmax.f32 v60, $0.0e+00  }
0x203: {  	[tilespmem:$0x1F470] =	vst v5;
	v5 =	vld [tilespmem:$0x1F290]  }
0x204: {  	[tilespmem:$0x1F580] =	vst v6  }
0x205: {  	v41 =	vmax.f32 v62, $0.0e+00;
	[tilespmem:$0x1F650] =	vst v11  }
0x206: {  	v28 =	vmax.f32 v27, $0.0e+00;
	v27 =	vmax.f32 v40, $0.0e+00;
	v40 =	vmax.f32 v55, $0.0e+00;
	[tilespmem:$0x1F510] =	vst v2  }
0x207: {  	v62 =	vmovc v61;
	v55 =	vmax.f32 v46, $0.0e+00;
	[tilespmem:$0x1F520] =	vst v1;
	v58 =	vmovc v46;
	v46 =	vmax.f32 v61, $0.0e+00;
	v61 =	vmax.f32 v51, $0.0e+00  }
0x208: {  	v51 =	vmax.f32 v6, $0.0e+00;
	v6 =	vmax.f32 v11, $0.0e+00;
	v11 =	vld [tilespmem:s23+$0xFFFFFED0];
	[tilespmem:s20+$0xFFFFFEC0] =	vst v5;
	v5 =	vmax.f32 v63, $0.0e+00  }
0x209: {  	[tilespmem:$0x1F4D0] =	vst v5;
	v5 =	vmax.f32 v2, $0.0e+00;
	v2 =	vmax.f32 v1, $0.0e+00;
	v1 =	vld [tilespmem:$0x1F2A0];
	_ =	sdelay $0x1  }
0x20a: {  	[tilespmem:$0x1F700] =	vst v48  }
0x20b: {  	[tilespmem:$0x1F4C0] =	vst v52  }
0x20c: {  	[tilespmem:$0x1F600] =	vst v0  }
0x20d: {  	v24 =	vmax.f32 v48, $0.0e+00;
	v48 =	vmax.f32 v52, $0.0e+00;
	v52 =	vld [tilespmem:s23+$0xFFFFFEE0];
	[tilespmem:s20+$0xFFFFFED0] =	vst v1;
	v1 =	vmax.f32 v3, $0.0e+00  }
0x20e: {  	[tilespmem:$0x1F4F0] =	vst v1;
	v1 =	vmax.f32 v0, $0.0e+00;
	v0 =	vmax.f32 v15, $0.0e+00  }
0x20f: {  	[tilespmem:$0x1F690] =	vst v0;
	v0 =	vld [tilespmem:$0x1F2B0];
	_ =	sdelay $0x1  }
0x210: {  	[tilespmem:$0x1F3F0] =	vst v17  }
0x211: {  	[tilespmem:$0x1F670] =	vst v44  }
0x212: {  	v43 =	vmax.f32 v34, $0.0e+00;
	[tilespmem:$0x1F610] =	vst v2  }
0x213: {  	v34 =	vmax.f32 v17, $0.0e+00;
	v17 =	vmax.f32 v44, $0.0e+00;
	v44 =	vld [tilespmem:s23+$0xFFFFFEF0];
	[tilespmem:s20+$0xFFFFFEE0] =	vst v0;
	v0 =	vmax.f32 v12, $0.0e+00  }
0x214: {  	[tilespmem:$0x1F5C0] =	vst v0;
	v0 =	vmax.f32 v37, $0.0e+00  }
0x215: {  	[tilespmem:$0x1F6C0] =	vst v0;
	v0 =	vmax.f32 v16, $0.0e+00  }
0x216: {  	v2 =	vmax.f32 v19, $0.0e+00;
	[tilespmem:$0x1F720] =	vst v0;
	v0 =	vld [tilespmem:$0x1F2C0]  }
0x217: {  	[tilespmem:$0x1F750] =	vst v2;
	v2 =	vld [tilespmem:$0x1F2D0];
	_ =	sdelay $0x2  }
0x218: {  	[tilespmem:$0x1F630] =	vst v1  }
0x219: {  	v1 =	vld [tilespmem:s23+$0xFFFFFE00];
	[tilespmem:s20+$0xFFFFFEF0] =	vst v0  }
0x21a: {  	v0 =	vld [tilespmem:s23+$0xFFFFFE10];
	[tilespmem:s20+$0xFFFFFE00] =	vst v2;
	v2 =	vmax.f32 v11, $0.0e+00  }
0x21b: {  	[tilespmem:$0x1F7B0] =	vst v2;
	v2 =	vld [tilespmem:$0x1F2E0]  }
0x21c: {  	v7 =	vmul.f32 v7, v4  }
0x21d: {  	[tilespmem:$0x1F3C0] =	vst v6;
	v6 =	vmul.f32 v14, v4  }
0x21e: {  	[tilespmem:$0x1FA30] =	vst v7  }
0x21f: {  	[tilespmem:$0x1F8B0] =	vst v6  }
0x220: {  	v6 =	vld [tilespmem:s23+$0xFFFFFE20];
	[tilespmem:s20+$0xFFFFFE10] =	vst v2;
	v2 =	vmax.f32 v52, $0.0e+00  }
0x221: {  	v7 =	vmul.f32 v38, v4;
	[tilespmem:$0x1F7E0] =	vst v2;
	v2 =	vld [tilespmem:$0x1F2F0];
	_ =	sdelay $0x1  }
0x222: {  	[tilespmem:$0x1FF70] =	vst v7;
	v7 =	vmul.f32 v18, v4  }
0x223: {  	[tilespmem:$0x1F3D0] =	vst v53  }
0x224: {  	v59 =	vld [tilespmem:$0x1F210];
	[tilespmem:$0x1FA50] =	vst v7  }
0x225: {  	v7 =	vld [tilespmem:s23+$0xFFFFFE30];
	[tilespmem:s20+$0xFFFFFE20] =	vst v2;
	v2 =	vmax.f32 v44, $0.0e+00  }
0x226: {  	[tilespmem:$0x1F800] =	vst v2;
	v2 =	vld [tilespmem:$0x1F300]  }
0x227: {  	[tilespmem:$0x1F3A0] =	vst v10  }
0x228: {  	[tilespmem:s20+$0xE0] =	vst v32;
	v14 =	vmul.f32 v43, v4  }
0x229: {  	[tilespmem:$0x1F6E0] =	vst v21  }
0x22a: {  	v57 =	vmax.f32 v59, $0.0e+00;
	v35 =	vmax.f32 v53, $0.0e+00;
	[tilespmem:$0x1F9B0] =	vst v14;
	v14 =	vmul.f32 v26, v4  }
0x22b: {  	v53 =	vmax.f32 v21, $0.0e+00;
	v21 =	vmax.f32 v10, $0.0e+00;
	v10 =	vld [tilespmem:s23+$0xFFFFFE40];
	[tilespmem:s20+$0xFFFFFE30] =	vst v2;
	v2 =	vmul.f32 v57, v4  }
0x22c: {  	v32 =	vmax.f32 v25, $0.0e+00;
	[tilespmem:$0x1FA00] =	vst v14  }
0x22d: {  	v14 =	vmul.f32 v32, v4;
	[tilespmem:$0x1F850] =	vst v2;
	v2 =	vld [tilespmem:$0x1F310]  }
0x22e: {  	[tilespmem:$0x1F6F0] =	vst v25  }
0x22f: {  	[tilespmem:$0x1F9E0] =	vst v14;
	v14 =	vmul.f32 v24, v4  }
0x230: {  	[tilespmem:$0x1F6D0] =	vst v13  }
0x231: {  	v25 =	vmax.f32 v13, $0.0e+00;
	[tilespmem:$0x1F9F0] =	vst v14;
	v13 =	vld [tilespmem:s23+$0xFFFFFE50]  }
0x232: {  	v14 =	vmul.f32 v31, v4;
	[tilespmem:s20+$0xFFFFFE40] =	vst v2;
	v2 =	vld [tilespmem:$0x1F320];
	_ =	sdelay $0x1  }
0x233: {  	[tilespmem:$0x1F9C0] =	vst v14;
	v14 =	vmul.f32 v27, v4  }
0x234: {  	[tilespmem:$0x1F5E0] =	vst v15  }
0x235: {  	[tilespmem:$0x1F9D0] =	vst v14  }
0x236: {  	v15 =	vld [tilespmem:s23+$0xFFFFFE60];
	[tilespmem:s20+$0xFFFFFE50] =	vst v2;
	v2 =	vmax.f32 v6, $0.0e+00  }
0x237: {  	v14 =	vmul.f32 v48, v4;
	[tilespmem:$0x1F820] =	vst v2;
	v2 =	vld [tilespmem:$0x1F330]  }
0x238: {  	v8 =	vmul.f32 v36, v4  }
0x239: {  	[tilespmem:$0x1F950] =	vst v14;
	v14 =	vmul.f32 v29, v4  }
0x23a: {  	[tilespmem:$0x1FA60] =	vst v8  }
0x23b: {  	[tilespmem:$0x1F9A0] =	vst v14  }
0x23c: {  	v14 =	vmul.f32 v42, v4;
	[tilespmem:s20+$0xFFFFFE60] =	vst v2;
	v2 =	vmax.f32 v7, $0.0e+00  }
0x23d: {  	v8 =	vmul.f32 v22, v4;
	[tilespmem:$0x1F830] =	vst v2;
	v2 =	vld [tilespmem:$0x1F340]  }
0x23e: {  	v23 =	vmax.f32 v23, $0.0e+00;
	[tilespmem:$0x1F980] =	vst v14;
	v14 =	vmul.f32 v41, v4  }
0x23f: {  	[tilespmem:$0x1FA70] =	vst v8;
	v8 =	vmul.f32 v23, v4  }
0x240: {  	[tilespmem:$0x1F990] =	vst v14;
	v14 =	vld [tilespmem:$0x1F350]  }
0x241: {  	[tilespmem:$0x1FA20] =	vst v8  }
0x242: {  	v8 =	vmul.f32 v20, v4;
	[tilespmem:s20+$0xFFFFFE70] =	vst v2;
	v2 =	vmax.f32 v10, $0.0e+00  }
0x243: {  	[tilespmem:$0x1F840] =	vst v2;
	v2 =	vmul.f32 v34, v4  }
0x244: {  	[tilespmem:$0x1FA40] =	vst v8  }
0x245: {  	v8 =	vmax.f32 v1, $0.0e+00;
	v1 =	vadd.f32 v1, v14;
	[tilespmem:$0x1F870] =	vst v2;
	v2 =	vmax.f32 v15, $0.0e+00  }
0x246: {  	[tilespmem:$0x1F860] =	vst v2;
	v2 =	vmul.f32 v33, v4  }
0x247: {  	[tilespmem:$0x1FAD0] =	vst v1;
	v1 =	vadd.f32 v3, v1  }
0x248: {  	[tilespmem:$0x1F920] =	vst v2;
	v2 =	vmul.f32 v30, v4  }
0x249: {  	[tilespmem:$0x1FAF0] =	vst v1  }
0x24a: {  	[tilespmem:$0x1F930] =	vst v2;
	v2 =	vadd.f32 v49, v1;
	v1 =	vmul.f32 v45, v4;
	_ =	sdelay $0x1  }
0x24b: {  	[tilespmem:$0x1F900] =	vst v1;
	v1 =	vmul.f32 v17, v4;
	_ =	sdelay $0x1  }
0x24c: {  	[tilespmem:$0x1F910] =	vst v1;
	v1 =	vld [tilespmem:$0x1F370];
	_ =	sdelay $0x1  }
0x24d: {  	v14 =	vmul.f32 v53, v4;
	_ =	sdelay $0x1  }
0x24e: {  	[tilespmem:$0x1F960] =	vst v14;
	v14 =	vmul.f32 v25, v4  }
0x24f: {  	[tilespmem:$0x1FB10] =	vst v2;
	v1 =	vadd.f32 v6, v1;
	v6 =	vadd.f32 v58, v2;
	v2 =	vmul.f32 v39, v4  }
0x250: {  	[tilespmem:$0x1F970] =	vst v14;
	v14 =	vld [tilespmem:$0x1F360]  }
0x251: {  	[tilespmem:$0x1F8C0] =	vst v2;
	v2 =	vld [tilespmem:$0x1F380]  }
0x252: {  	v9 =	vmul.f32 v28, v4  }
0x253: {  	[tilespmem:$0x1F5A0] =	vst v5;
	v5 =	vmul.f32 v50, v4  }
0x254: {  	[tilespmem:$0x1FA10] =	vst v9  }
0x255: {  	[tilespmem:$0x1F8E0] =	vst v5;
	v9 =	vmax.f32 v0, $0.0e+00;
	v0 =	vadd.f32 v0, v14  }
0x256: {  	[tilespmem:$0x1FCE0] =	vst v1;
	v2 =	vadd.f32 v7, v2;
	v7 =	vadd.f32 v37, v1;
	v1 =	vmul.f32 v61, v4  }
0x257: {  	v5 =	vld [tilespmem:$0x1F3A0];
	[tilespmem:$0x1FC80] =	vst v0;
	v0 =	vadd.f32 v12, v0  }
0x258: {  	[tilespmem:$0x1F8D0] =	vst v1;
	v1 =	vld [tilespmem:$0x1F390]  }
0x259: {  	v14 =	vadd.f32 v54, v0;
	_ =	sdelay $0x1  }
0x25a: {  	[tilespmem:$0x1FCA0] =	vst v14;
	v14 =	vadd.f32 v62, v14;
	_ =	sdelay $0x1  }
0x25b: {  	[tilespmem:$0x1FB30] =	vst v6;
	v1 =	vadd.f32 v1, v6;
	v6 =	vadd.f32 v5, v14;
	v5 =	vld [tilespmem:$0x1F3B0];
	_ =	sdelay $0x7  }
0x25c: {  	v31 =	vld.idx.msk [tilespmem:v5+s16+$0x0], $0xffff  }
0x25d: {  	v5 =	vld [tilespmem:$0x1F3C0];
	_ =	sdelay $0x4  }
0x25e: {  	v49 =	vmul.f32 v5, v4;
	v5 =	vld [tilespmem:$0x1F3D0];
	_ =	sdelay $0x4  }
0x25f: {  	[tilespmem:$0x1FD00] =	vst v2;
	v2 =	vadd.f32 v16, v2;
	v12 =	vadd.f32 v5, v1;
	v5 =	vld [tilespmem:$0x1F420];
	_ =	sdelay $0x1  }
0x260: {  	[tilespmem:$0x1FD40] =	vst v2  }
0x261: {  	[tilespmem:$0x1FB50] =	vst v1;
	v1 =	vadd.f32 v63, v2;
	v2 =	vld [tilespmem:$0x1F3E0];
	_ =	sdelay $0x1  }
0x262: {  	v16 =	vadd.f32 v59, v12;
	v59 =	vmul.f32 v5, v4;
	v5 =	vld [tilespmem:$0x1F430];
	_ =	sdelay $0x2  }
0x263: {  	v41 =	vmul.f32 v2, v4;
	v2 =	vld [tilespmem:$0x1F3F0];
	_ =	sdelay $0x1  }
0x264: {  	[tilespmem:$0x1FD60] =	vst v1;
	v17 =	vadd.f32 v5, v1;
	v1 =	vld [tilespmem:$0x1F440];
	_ =	sdelay $0x2  }
0x265: {  	v63 =	vadd.f32 v2, v6;
	_ =	sdelay $0x1  }
0x266: {  	v23 =	vadd.f32 v1, v63;
	v1 =	vld [tilespmem:$0x1F450];
	_ =	sdelay $0x2  }
0x267: {  	v2 =	vld [tilespmem:$0x1F400];
	_ =	sdelay $0x1  }
0x268: {  	[tilespmem:$0x1FCB0] =	vst v14;
	v14 =	vadd.f32 v10, v1;
	v1 =	vld [tilespmem:$0x1F460];
	_ =	sdelay $0x2  }
0x269: {  	[tilespmem:$0x1FCC0] =	vst v6;
	v6 =	vmul.f32 v2, v4;
	v2 =	vld [tilespmem:$0x1F410];
	_ =	sdelay $0x2  }
0x26a: {  	[tilespmem:$0x1FD20] =	vst v7;
	v7 =	vadd.f32 v60, v7;
	_ =	sdelay $0x1  }
0x26b: {  	[tilespmem:$0x1FD50] =	vst v7;
	v2 =	vadd.f32 v2, v7;
	v7 =	vld.idx.msk [tilespmem:v1+s16+$0x0], $0xffff  }
0x26c: {  	v1 =	vld [tilespmem:$0x1F470];
	_ =	sdelay $0x4  }
0x26d: {  	v37 =	vmul.f32 v1, v4;
	v1 =	vld [tilespmem:$0x1F480];
	_ =	sdelay $0x3  }
0x26e: {  	v10 =	vld [tilespmem:$0x1F4B0]  }
0x26f: {  	[tilespmem:$0x1FD70] =	vst v2;
	v2 =	vadd.f32 v1, v2;
	v1 =	vld [tilespmem:$0x1F490];
	_ =	sdelay $0x3  }
0x270: {  	v38 =	vmax.f32 v13, $0.0e+00  }
0x271: {  	v10 =	vmul.f32 v31, v10;
	v13 =	vadd.f32 v13, v1;
	v1 =	vmul.f32 v8, v4;
	_ =	sdelay $0x1  }
0x272: {  	v1 =	vadd.f32 v1, v10;
	v10 =	vld [tilespmem:$0x1F500];
	_ =	sdelay $0x1  }
0x273: {  	v5 =	vld [tilespmem:$0x1F4A0];
	_ =	sdelay $0x4  }
0x274: {  	v30 =	vadd.f32 v5, v17;
	v5 =	vld [tilespmem:$0x1F4C0]  }
0x275: {  	v60 =	vld.idx.msk [tilespmem:v10+s16+$0x0], $0xffff  }
0x276: {  	v10 =	vld [tilespmem:$0x1F510];
	_ =	sdelay $0x2  }
0x277: {  	[tilespmem:$0x1FD90] =	vst v14;
	v14 =	vadd.f32 v19, v14  }
0x278: {  	v18 =	vmul.f32 v21, v4;
	v21 =	vadd.f32 v5, v2  }
0x279: {  	[tilespmem:$0x1FDB0] =	vst v2;
	v2 =	vadd.f32 v11, v13;
	v11 =	vadd.f32 v10, v14;
	v10 =	vld [tilespmem:$0x1F520];
	_ =	sdelay $0x2  }
0x27a: {  	v5 =	vld [tilespmem:$0x1F4D0];
	_ =	sdelay $0x1  }
0x27b: {  	[tilespmem:$0x1FA80] =	vst v1;
	v34 =	vadd.f32 v10, v2;
	v10 =	vmul.f32 v7, v1;
	v1 =	vld [tilespmem:$0x1F540];
	_ =	sdelay $0x2  }
0x27c: {  	v24 =	vmul.f32 v5, v4;
	v5 =	vld [tilespmem:$0x1F4E0];
	_ =	sdelay $0x1  }
0x27d: {  	[tilespmem:$0x1FDC0] =	vst v13;
	v13 =	vadd.f32 v1, v11;
	v1 =	vld [tilespmem:$0x1F550];
	_ =	sdelay $0x2  }
0x27e: {  	[tilespmem:$0x1FD80] =	vst v17;
	v17 =	vadd.f32 v5, v30  }
0x27f: {  	v8 =	vld [tilespmem:s23+$0xFFFFFE70]  }
0x280: {  	v39 =	vadd.f32 v1, v17;
	v1 =	vld [tilespmem:$0x1F560];
	_ =	sdelay $0x4  }
0x281: {  	[tilespmem:$0x1FED0] =	vst v17;
	v17 =	vadd.f32 v8, v1;
	v1 =	vld [tilespmem:$0x1F570];
	_ =	sdelay $0x4  }
0x282: {  	[tilespmem:$0x1FE00] =	vst v14;
	v14 =	vmul.f32 v31, v1;
	v1 =	vld [tilespmem:$0x1F580];
	_ =	sdelay $0x4  }
0x283: {  	v27 =	vadd.f32 v1, v34;
	v1 =	vld [tilespmem:$0x1F590]  }
0x284: {  	v5 =	vld [tilespmem:$0x1F4F0]  }
0x285: {  	[tilespmem:$0x1FE20] =	vst v2;
	v2 =	vld [tilespmem:$0x1F530];
	_ =	sdelay $0x2  }
0x286: {  	v15 =	vadd.f32 v15, v1;
	v1 =	vld [tilespmem:$0x1F5A0];
	_ =	sdelay $0x1  }
0x287: {  	v5 =	vmul.f32 v5, v4;
	v33 =	vadd.f32 v2, v21;
	v2 =	vld [tilespmem:$0x1F5C0];
	_ =	sdelay $0x1  }
0x288: {  	v9 =	vmul.f32 v9, v4;
	v5 =	vadd.f32 v5, v10  }
0x289: {  	[tilespmem:$0x1FE80] =	vst v11;
	v11 =	vmul.f32 v1, v4;
	v1 =	vld [tilespmem:$0x1F5B0]  }
0x28a: {  	[tilespmem:$0x1FA90] =	vst v5;
	v10 =	vadd.f32 v9, v14  }
0x28b: {  	v9 =	vmul.f32 v2, v4;
	[tilespmem:$0x1FE40] =	vst v15;
	v2 =	vadd.f32 v52, v15;
	v15 =	vmul.f32 v60, v5;
	v5 =	vld [tilespmem:$0x1F5D0];
	_ =	sdelay $0x4  }
0x28c: {  	[tilespmem:$0x1FF00] =	vst v13;
	v13 =	vadd.f32 v5, v13;
	v5 =	vld [tilespmem:$0x1F5E0]  }
0x28d: {  	v29 =	vld.idx.msk [tilespmem:v1+s16+$0x0], $0xffff  }
0x28e: {  	[tilespmem:$0x1FDE0] =	vst v17;
	v1 =	vadd.f32 v44, v17;
	v17 =	vld [tilespmem:$0x1F640];
	_ =	sdelay $0x1  }
0x28f: {  	[tilespmem:$0x1FAA0] =	vst v10  }
0x290: {  	v22 =	vmul.f32 v7, v10;
	v10 =	vld [tilespmem:$0x1F600];
	[tilespmem:$0x1FE60] =	vst v1;
	v1 =	vadd.f32 v5, v1;
	_ =	sdelay $0x1  }
0x291: {  	v36 =	vmul.f32 v35, v4;
	[tilespmem:$0x1FEB0] =	vst v1;
	v35 =	vadd.f32 v17, v1;
	v1 =	vld [tilespmem:$0x1F650];
	_ =	sdelay $0x2  }
0x292: {  	[tilespmem:$0x1FE90] =	vst v2;
	v2 =	vadd.f32 v10, v2;
	_ =	sdelay $0x1  }
0x293: {  	[tilespmem:$0x1FEE0] =	vst v2;
	v1 =	vadd.f32 v1, v2;
	v2 =	vld [tilespmem:$0x1F660];
	_ =	sdelay $0x1  }
0x294: {  	v3 =	vmul.f32 v47, v4  }
0x295: {  	v5 =	vld [tilespmem:$0x1F5F0]  }
0x296: {  	[tilespmem:$0x1F8F0] =	vst v3;
	v3 =	vmul.f32 v40, v4  }
0x297: {  	v15 =	vadd.f32 v6, v15;
	[tilespmem:$0x1FF50] =	vst v13;
	v44 =	vadd.f32 v2, v13;
	v13 =	vld [tilespmem:$0x1F680]  }
0x298: {  	[tilespmem:$0x1F940] =	vst v3  }
0x299: {  	v3 =	vmul.f32 v55, v4;
	[tilespmem:$0x1FAB0] =	vst v15;
	v15 =	vmul.f32 v29, v15  }
0x29a: {  	v5 =	vadd.f32 v5, v27  }
0x29b: {  	v17 =	vadd.f32 v3, v15;
	v3 =	vld [tilespmem:$0x1F6A0]  }
0x29c: {  	[tilespmem:$0x1FF60] =	vst v5;
	v43 =	vadd.f32 v13, v5;
	v5 =	vld [tilespmem:$0x1F690];
	_ =	sdelay $0x4  }
0x29d: {  	[tilespmem:$0x1FF20] =	vst v1;
	v45 =	vmul.f32 v5, v4;
	v5 =	vadd.f32 v3, v1;
	v1 =	vld [tilespmem:$0x1F6B0];
	_ =	sdelay $0x7  }
0x29e: {  	v3 =	vld.idx.msk [tilespmem:v1+s16+$0x0], $0xffff  }
0x29f: {  	v1 =	vld [tilespmem:$0x1F6C0];
	_ =	sdelay $0x2  }
0x2a0: {  	v2 =	vld [tilespmem:$0x1F670];
	_ =	sdelay $0x1  }
0x2a1: {  	v15 =	vmul.f32 v1, v4;
	v1 =	vld [tilespmem:$0x1F6D0];
	_ =	sdelay $0x2  }
0x2a2: {  	v2 =	vadd.f32 v2, v35;
	_ =	sdelay $0x1  }
0x2a3: {  	v42 =	vadd.f32 v1, v2;
	v1 =	vld [tilespmem:$0x1F6E0];
	_ =	sdelay $0x4  }
0x2a4: {  	[tilespmem:$0x1FC90] =	vst v0;
	v0 =	vmul.f32 v46, v4;
	v46 =	vadd.f32 v1, v5;
	v1 =	vld [tilespmem:$0x1F6F0];
	_ =	sdelay $0x3  }
0x2a5: {  	v6 =	vld [tilespmem:$0x1F620]  }
0x2a6: {  	v54 =	vmul.f32 v51, v4;
	v51 =	vadd.f32 v1, v44;
	v1 =	vld [tilespmem:$0x1F700];
	_ =	sdelay $0x3  }
0x2a7: {  	v14 =	vadd.f32 v9, v22  }
0x2a8: {  	v50 =	vadd.f32 v1, v43;
	v1 =	vld [tilespmem:$0x1F710]  }
0x2a9: {  	v61 =	vmul.f32 v60, v14;
	_ =	sdelay $0x1  }
0x2aa: {  	[tilespmem:$0x1FAC0] =	vst v14;
	v14 =	vadd.f32 v59, v61;
	v6 =	vld.idx.msk [tilespmem:v6+s16+$0x0], $0xffff;
	_ =	sdelay $0x1  }
0x2ab: {  	v32 =	vmul.f32 v29, v14;
	v47 =	vadd.f32 v1, v42;
	v1 =	vld [tilespmem:$0x1F720];
	_ =	sdelay $0x1  }
0x2ac: {  	[tilespmem:$0x1FB00] =	vst v14;
	v14 =	vadd.f32 v0, v32;
	v0 =	vld [tilespmem:$0x1F760]  }
0x2ad: {  	v28 =	vmul.f32 v56, v4;
	v62 =	vmul.f32 v6, v17;
	_ =	sdelay $0x1  }
0x2ae: {  	v56 =	vmul.f32 v1, v4;
	v1 =	vadd.f32 v28, v62;
	_ =	sdelay $0x1  }
0x2af: {  	v13 =	vadd.f32 v0, v47;
	v0 =	vmul.f32 v3, v1;
	_ =	sdelay $0x1  }
0x2b0: {  	v20 =	vadd.f32 v36, v0;
	v0 =	vld [tilespmem:$0x1F7C0];
	_ =	sdelay $0x1  }
0x2b1: {  	[tilespmem:$0x1FB40] =	vst v14;
	v61 =	vmul.f32 v6, v14;
	v14 =	vld [tilespmem:$0x1F7A0];
	_ =	sdelay $0x4  }
0x2b2: {  	v19 =	vadd.f32 v14, v51;
	v14 =	vld [tilespmem:$0x1F7B0]  }
0x2b3: {  	v55 =	vld.idx.msk [tilespmem:v0+s16+$0x0], $0xffff  }
0x2b4: {  	v0 =	vld [tilespmem:$0x1F7D0];
	_ =	sdelay $0x4  }
0x2b5: {  	v48 =	vmul.f32 v14, v4;
	v14 =	vadd.f32 v18, v61;
	v22 =	vadd.f32 v0, v33;
	v0 =	vld [tilespmem:$0x1F7E0]  }
0x2b6: {  	[tilespmem:$0x1FF40] =	vst v2;
	v2 =	vld [tilespmem:$0x1F730]  }
0x2b7: {  	[tilespmem:$0x1FB60] =	vst v14;
	v58 =	vmul.f32 v3, v14;
	v14 =	vld [tilespmem:$0x1F830];
	_ =	sdelay $0x2  }
0x2b8: {  	v57 =	vmul.f32 v0, v4;
	v0 =	vld [tilespmem:$0x1F7F0];
	_ =	sdelay $0x1  }
0x2b9: {  	v59 =	vmul.f32 v14, v4;
	v14 =	vld [tilespmem:$0x1F840];
	_ =	sdelay $0x1  }
0x2ba: {  	v52 =	vld.idx.msk [tilespmem:v2+s16+$0x0], $0xffff  }
0x2bb: {  	v26 =	vadd.f32 v0, v23;
	v0 =	vld [tilespmem:$0x1F800];
	_ =	sdelay $0x1  }
0x2bc: {  	v61 =	vmul.f32 v14, v4;
	v14 =	vld [tilespmem:$0x1F850]  }
0x2bd: {  	[tilespmem:$0x1FAE0] =	vst v17;
	v17 =	vld [tilespmem:$0x1F810];
	_ =	sdelay $0x1  }
0x2be: {  	v18 =	vmul.f32 v0, v4;
	v0 =	vmul.f32 v52, v20;
	_ =	sdelay $0x1  }
0x2bf: {  	v0 =	vadd.f32 v14, v0;
	v14 =	vld [tilespmem:$0x1F860]  }
0x2c0: {  	v32 =	vmov v23;
	v23 =	vadd.f32 v17, v16;
	v17 =	vld [tilespmem:$0x1F820];
	_ =	sdelay $0x3  }
0x2c1: {  	v36 =	vmul.f32 v14, v4;
	v14 =	vld [tilespmem:$0x1F870]  }
0x2c2: {  	v40 =	vmul.f32 v17, v4;
	v17 =	vld [tilespmem:$0x1FFD0];
	_ =	sdelay $0x1  }
0x2c3: {  	v2 =	vld [tilespmem:$0x1F740];
	_ =	sdelay $0x1  }
0x2c4: {  	v16 =	vadd.f32 v0, v16;
	v58 =	vadd.f32 v14, v58;
	v14 =	vld [tilespmem:$0x1F880]  }
0x2c5: {  	v12 =	vadd.f32 v20, v12;
	v20 =	vmul.f32 v31, v17;
	v17 =	vld [tilespmem:$0x1FFA0]  }
0x2c6: {  	[tilespmem:s23+$0x100] =	vst v16;
	v16 =	vld [tilespmem:$0x1FFE0]  }
0x2c7: {  	v53 =	vadd.f32 v2, v46;
	v2 =	vld [tilespmem:$0x1F750]  }
0x2c8: {  	v8 =	vmax.f32 v8, $0.0e+00;
	[tilespmem:s23+$0x80] =	vst v12;
	v12 =	vld [tilespmem:$0x1F8A0]  }
0x2c9: {  	v62 =	vmul.f32 v31, v14;
	v14 =	vmul.f32 v52, v58;
	v58 =	vadd.f32 v58, v63;
	v63 =	vld [tilespmem:$0x1F890]  }
0x2ca: {  	v8 =	vmul.f32 v8, v4;
	v17 =	vmul.f32 v31, v17  }
0x2cb: {  	v16 =	vmul.f32 v31, v16  }
0x2cc: {  	v38 =	vmul.f32 v38, v4;
	v28 =	vmul.f32 v2, v4;
	v17 =	vadd.f32 v8, v17  }
0x2cd: {  	v12 =	vmul.f32 v31, v12;
	v40 =	vadd.f32 v40, v62;
	v62 =	vadd.f32 v61, v16  }
0x2ce: {  	v9 =	vld [tilespmem:$0x1F630];
	v20 =	vadd.f32 v36, v20;
	v16 =	vmul.f32 v7, v17;
	v63 =	vmul.f32 v31, v63  }
0x2cf: {  	[tilespmem:$0x1FB90] =	vst v17;
	v8 =	vmul.f32 v7, v40;
	v17 =	vmul.f32 v7, v62  }
0x2d0: {  	v10 =	vld [tilespmem:$0x1F610];
	v31 =	vadd.f32 v38, v63;
	v63 =	vadd.f32 v59, v12;
	v12 =	vmul.f32 v7, v20  }
0x2d1: {  	v8 =	vadd.f32 v15, v8;
	v17 =	vadd.f32 v28, v17  }
0x2d2: {  	[tilespmem:$0x1FB80] =	vst v20;
	v20 =	vmul.f32 v7, v31;
	v7 =	vmul.f32 v7, v63;
	v15 =	vadd.f32 v57, v12  }
0x2d3: {  	v9 =	vmul.f32 v9, v4;
	[tilespmem:$0x1FBD0] =	vst v8;
	v8 =	vmul.f32 v60, v8;
	v12 =	vadd.f32 v18, v16  }
0x2d4: {  	[tilespmem:$0x1FC00] =	vst v17;
	v16 =	vadd.f32 v48, v20;
	v18 =	vadd.f32 v56, v7;
	v7 =	vmul.f32 v60, v15  }
0x2d5: {  	v10 =	vmul.f32 v10, v4;
	[tilespmem:$0x1FBE0] =	vst v15;
	v15 =	vmul.f32 v60, v17;
	v17 =	vadd.f32 v37, v8  }
0x2d6: {  	[tilespmem:$0x1FC10] =	vst v16;
	v16 =	vmul.f32 v60, v16;
	v8 =	vmul.f32 v60, v18;
	v7 =	vadd.f32 v9, v7;
	_ =	sdelay $0x1  }
0x2d7: {  	v20 =	vadd.f32 v10, v16;
	v16 =	vadd.f32 v24, v8;
	[tilespmem:$0x1FC40] =	vst v7;
	v8 =	vmul.f32 v29, v7;
	v7 =	vld [tilespmem:$0x1F8C0];
	_ =	sdelay $0x2  }
0x2d8: {  	v9 =	vmul.f32 v29, v17  }
0x2d9: {  	[tilespmem:$0x1FBF0] =	vst v12  }
0x2da: {  	v12 =	vmul.f32 v60, v12;
	[tilespmem:$0x1FC30] =	vst v17;
	v17 =	vadd.f32 v7, v9;
	v7 =	vadd.f32 v49, v8;
	v8 =	vld [tilespmem:$0x1F8D0]  }
0x2db: {  	v15 =	vadd.f32 v11, v15  }
0x2dc: {  	v60 =	vadd.f32 v45, v12  }
0x2dd: {  	v11 =	vmul.f32 v29, v15  }
0x2de: {  	v10 =	vmul.f32 v29, v60  }
0x2df: {  	v12 =	vmul.f32 v29, v20;
	v9 =	vmul.f32 v29, v16;
	v29 =	vadd.f32 v8, v11;
	v11 =	vld [tilespmem:$0x1F8E0];
	_ =	sdelay $0x3  }
0x2e0: {  	[tilespmem:$0x1FC20] =	vst v18  }
0x2e1: {  	[tilespmem:$0x1FC70] =	vst v7;
	v18 =	vadd.f32 v11, v9;
	v9 =	vmul.f32 v6, v7;
	v7 =	vld [tilespmem:$0x1F8F0];
	_ =	sdelay $0x2  }
0x2e2: {  	v8 =	vmul.f32 v6, v17;
	_ =	sdelay $0x1  }
0x2e3: {  	v38 =	vadd.f32 v7, v8;
	v7 =	vld [tilespmem:$0x1F900];
	_ =	sdelay $0x4  }
0x2e4: {  	v37 =	vadd.f32 v7, v9;
	v7 =	vld [tilespmem:$0x1F910]  }
0x2e5: {  	v10 =	vadd.f32 v41, v10;
	_ =	sdelay $0x1  }
0x2e6: {  	v11 =	vmul.f32 v6, v10;
	_ =	sdelay $0x1  }
0x2e7: {  	[tilespmem:$0x1FBB0] =	vst v31;
	v31 =	vadd.f32 v7, v11;
	v7 =	vld [tilespmem:$0x1F920];
	_ =	sdelay $0x2  }
0x2e8: {  	v28 =	vadd.f32 v54, v12;
	v12 =	vmul.f32 v6, v29;
	_ =	sdelay $0x1  }
0x2e9: {  	[tilespmem:$0x1FB70] =	vst v40;
	v40 =	vadd.f32 v7, v12;
	v7 =	vld [tilespmem:$0x1F930];
	_ =	sdelay $0x2  }
0x2ea: {  	[tilespmem:$0x1FC50] =	vst v16;
	v16 =	vmul.f32 v6, v28;
	_ =	sdelay $0x1  }
0x2eb: {  	v41 =	vadd.f32 v7, v16;
	v7 =	vld [tilespmem:$0x1F940];
	_ =	sdelay $0x2  }
0x2ec: {  	v6 =	vmul.f32 v6, v18;
	_ =	sdelay $0x1  }
0x2ed: {  	v45 =	vadd.f32 v7, v6;
	v7 =	vld [tilespmem:$0x1F950];
	_ =	sdelay $0x2  }
0x2ee: {  	v8 =	vmul.f32 v3, v38;
	_ =	sdelay $0x1  }
0x2ef: {  	v54 =	vadd.f32 v7, v8;
	v7 =	vld [tilespmem:$0x1F960];
	_ =	sdelay $0x2  }
0x2f0: {  	v6 =	vmul.f32 v3, v37;
	_ =	sdelay $0x1  }
0x2f1: {  	v49 =	vadd.f32 v7, v6;
	v6 =	vld [tilespmem:$0x1F970];
	_ =	sdelay $0x2  }
0x2f2: {  	v9 =	vmul.f32 v3, v31;
	_ =	sdelay $0x1  }
0x2f3: {  	v48 =	vadd.f32 v6, v9;
	v6 =	vld [tilespmem:$0x1F980];
	_ =	sdelay $0x1  }
0x2f4: {  	v7 =	vld [tilespmem:$0x1F9A0]  }
0x2f5: {  	v11 =	vmul.f32 v3, v40;
	_ =	sdelay $0x1  }
0x2f6: {  	v12 =	vmul.f32 v3, v41;
	v3 =	vmul.f32 v3, v45;
	v56 =	vadd.f32 v6, v11;
	v6 =	vld [tilespmem:$0x1F990];
	_ =	sdelay $0x1  }
0x2f7: {  	[tilespmem:s23+$0x90] =	vst v58;
	v58 =	vadd.f32 v7, v3;
	v7 =	vld [tilespmem:$0x1F9B0];
	_ =	sdelay $0x2  }
0x2f8: {  	v57 =	vadd.f32 v6, v12;
	v6 =	vmul.f32 v52, v54;
	_ =	sdelay $0x1  }
0x2f9: {  	[tilespmem:$0x1FBA0] =	vst v62;
	v62 =	vadd.f32 v7, v6;
	v6 =	vld [tilespmem:$0x1F9C0];
	_ =	sdelay $0x2  }
0x2fa: {  	v3 =	vmul.f32 v52, v49;
	_ =	sdelay $0x1  }
0x2fb: {  	v59 =	vadd.f32 v6, v3;
	v3 =	vld [tilespmem:$0x1F9D0];
	_ =	sdelay $0x2  }
0x2fc: {  	v8 =	vmul.f32 v52, v48  }
0x2fd: {  	v7 =	vld [tilespmem:$0x1FA00]  }
0x2fe: {  	v61 =	vadd.f32 v3, v8;
	v3 =	vld [tilespmem:$0x1F9E0];
	_ =	sdelay $0x2  }
0x2ff: {  	v9 =	vmul.f32 v52, v56;
	v12 =	vmul.f32 v52, v58;
	_ =	sdelay $0x1  }
0x300: {  	v3 =	vadd.f32 v3, v9;
	v9 =	vadd.f32 v7, v12;
	v7 =	vld [tilespmem:$0x1FA10];
	_ =	sdelay $0x2  }
0x301: {  	v6 =	vld [tilespmem:$0x1F9F0];
	_ =	sdelay $0x1  }
0x302: {  	v12 =	vadd.f32 v7, v14;
	v7 =	vld [tilespmem:$0x1FA20]  }
0x303: {  	v11 =	vmul.f32 v52, v57;
	_ =	sdelay $0x1  }
0x304: {  	v24 =	vadd.f32 v6, v11;
	v11 =	vmul.f32 v55, v59;
	_ =	sdelay $0x1  }
0x305: {  	v7 =	vadd.f32 v7, v11;
	v11 =	vld [tilespmem:$0x1FA40];
	_ =	sdelay $0x2  }
0x306: {  	v16 =	vmul.f32 v55, v61  }
0x307: {  	v2 =	vld [tilespmem:$0x1F780]  }
0x308: {  	v52 =	vadd.f32 v11, v16;
	v16 =	vld [tilespmem:$0x1FA60];
	_ =	sdelay $0x2  }
0x309: {  	[tilespmem:$0x1FB20] =	vst v1;
	v1 =	vld [tilespmem:$0x1F770];
	v14 =	vmul.f32 v55, v3  }
0x30a: {  	s22 =	sadd.s32 $0x8, s22;
	v25 =	vadd.f32 v2, v53;
	v2 =	vld [tilespmem:$0x1F790]  }
0x30b: {  	p1 =	slt.u32 s22, $0xF8;
	v14 =	vadd.f32 v16, v14;
	v16 =	vld [tilespmem:$0x1FA70]  }
.Ltmp3:
0x30c: {  	_ = 	snop;
	(pc) =	sbr.rel @p1 .LBB2_5-.Ltmp3, $4  }
0x30d: {  	_ = 	snop  }
0x30e: {  	v1 =	vadd.f32 v1, v50;
	v36 =	vld [tilespmem:$0x1F8B0];
	[tilespmem:$0x1FC60] =	vst v17;
	v17 =	vmul.f32 v55, v24  }
0x30f: {  	v2 =	vadd.f32 v2, v39;
	v0 =	vmul.f32 v55, v0;
	v6 =	vmul.f32 v55, v62;
	[tilespmem:$0x1FFD0] =	vst v7;
	v7 =	vld [tilespmem:$0x1FA30]  }
0x310: {  	s20 =	smov.u32 s23;
	s23 =	sadd.s32 $0x400, s23;
	[tilespmem:$0x1FBC0] =	vst v63;
	v8 =	vmul.f32 v55, v9;
	v11 =	vmul.f32 v55, v12;
	v55 =	vld [tilespmem:$0x1FA50];
	v16 =	vadd.f32 v16, v17  }
0x311: {  	v17 =	vld [tilespmem:$0x1FF70];
	_ =	sdelay $0x4  }
0x312: {  	v6 =	vadd.f32 v17, v6;
	_ =	sdelay $0x1  }
0x313: {  	[tilespmem:$0x1F370] =	vst v22;
	v17 =	vadd.f32 v7, v0;
	v22 =	vadd.f32 v6, v22  }
0x314: {  	[tilespmem:$0x1F350] =	vst v23;
	v36 =	vadd.f32 v36, v11  }
0x315: {  	v63 =	vadd.f32 v55, v8;
	v8 =	vadd.f32 v17, v23;
	[tilespmem:s20+$0x1A0] =	vst v22  }
0x316: {  	[tilespmem:$0x1F360] =	vst v26  }
0x317: {  	v23 =	vadd.f32 v36, v26;
	[tilespmem:s20+$0x180] =	vst v8  }
0x318: {  	[tilespmem:$0x1F380] =	vst v2  }
0x319: {  	v8 =	vadd.f32 v63, v2;
	[tilespmem:s20+$0x190] =	vst v23  }
0x31a: {  	v55 =	vadd.f32 v14, v19;
	[tilespmem:$0x1FFE0] =	vst v14  }
0x31b: {  	[tilespmem:s20+$0x1B0] =	vst v8  }
0x31c: {  	[tilespmem:s20+$0x1C0] =	vst v55  }
0x31d: {  	v8 =	vadd.f32 v16, v1;
	v22 =	vld [tilespmem:$0x1FFD0]  }
0x31e: {  	v3 =	vadd.f32 v3, v51  }
0x31f: {  	[tilespmem:s20+$0x1D0] =	vst v8;
	v8 =	vadd.f32 v52, v13  }
0x320: {  	v55 =	vadd.f32 v12, v32;
	[tilespmem:s20+$0x140] =	vst v3  }
0x321: {  	[tilespmem:s20+$0x1F0] =	vst v8;
	v8 =	vadd.f32 v9, v39  }
0x322: {  	[tilespmem:s20+$0x110] =	vst v55;
	v23 =	vadd.f32 v22, v25  }
0x323: {  	v22 =	vadd.f32 v62, v33;
	[tilespmem:s20+$0x130] =	vst v8  }
0x324: {  	v8 =	vadd.f32 v59, v53;
	[tilespmem:s20+$0x1E0] =	vst v23  }
0x325: {  	[tilespmem:s20+$0x120] =	vst v22;
	v23 =	vadd.f32 v24, v50  }
0x326: {  	[tilespmem:s20+$0x160] =	vst v8  }
0x327: {  	[tilespmem:s20+$0x150] =	vst v23  }
0x328: {  	v33 =	vld [tilespmem:$0x1FED0]  }
0x329: {  	v3 =	vadd.f32 v61, v47  }
0x32a: {  	v32 =	vadd.f32 v54, v21  }
0x32b: {  	v39 =	vadd.f32 v57, v43;
	[tilespmem:s20+$0x170] =	vst v3  }
0x32c: {  	v3 =	vadd.f32 v56, v44;
	[tilespmem:s20+$0xA0] =	vst v32  }
0x32d: {  	[tilespmem:s20+$0xD0] =	vst v39;
	v8 =	vadd.f32 v58, v33  }
0x32e: {  	[tilespmem:s20+$0xC0] =	vst v3  }
0x32f: {  	[tilespmem:s20+$0xB0] =	vst v8;
	v8 =	vadd.f32 v49, v46  }
0x330: {  	v0 =	vld [tilespmem:$0x1FB50]  }
0x331: {  	v3 =	vadd.f32 v48, v42;
	v42 =	vld [tilespmem:$0x1FB20];
	[tilespmem:s20+$0xE0] =	vst v8  }
0x332: {  	v43 =	vld [tilespmem:$0x1FB60]  }
0x333: {  	v44 =	vld [tilespmem:$0x1FCC0];
	[tilespmem:s20+$0xF0] =	vst v3  }
0x334: {  	v46 =	vld [tilespmem:$0x1FDB0];
	_ =	sdelay $0x2  }
0x335: {  	v0 =	vadd.f32 v42, v0  }
0x336: {  	v8 =	vadd.f32 v43, v44  }
0x337: {  	[tilespmem:s20+$0x0] =	vst v0;
	v47 =	vadd.f32 v38, v46  }
0x338: {  	[tilespmem:s20+$0x10] =	vst v8  }
0x339: {  	v49 =	vld [tilespmem:$0x1FF50];
	[tilespmem:s20+$0x20] =	vst v47  }
0x33a: {  	v50 =	vld [tilespmem:$0x1FF60];
	_ =	sdelay $0x2  }
0x33b: {  	v48 =	vadd.f32 v45, v30  }
0x33c: {  	v3 =	vadd.f32 v40, v49  }
0x33d: {  	[tilespmem:s20+$0x30] =	vst v48;
	v51 =	vadd.f32 v41, v50  }
0x33e: {  	[tilespmem:s20+$0x40] =	vst v3  }
0x33f: {  	v54 =	vld [tilespmem:$0x1FF40];
	[tilespmem:s20+$0x50] =	vst v51  }
0x340: {  	v2 =	vld [tilespmem:$0x1FB30]  }
0x341: {  	v53 =	vadd.f32 v37, v5;
	v5 =	vld [tilespmem:$0x1FAE0];
	_ =	sdelay $0x1  }
0x342: {  	[tilespmem:s20+$0x60] =	vst v53  }
0x343: {  	v0 =	vld [tilespmem:$0x1FB40];
	v3 =	vadd.f32 v31, v54  }
0x344: {  	v55 =	vld [tilespmem:$0x1FCB0]  }
0x345: {  	v2 =	vadd.f32 v5, v2;
	[tilespmem:s20+$0x70] =	vst v3  }
0x346: {  	v56 =	vld [tilespmem:$0x1FD70]  }
0x347: {  	v3 =	vld [tilespmem:$0x1FC60];
	[tilespmem:s20+$0xFFFFFF80] =	vst v2  }
0x348: {  	v57 =	vld [tilespmem:$0x1FD80]  }
0x349: {  	v0 =	vadd.f32 v0, v55;
	_ =	sdelay $0x1  }
0x34a: {  	[tilespmem:s20+$0xFFFFFF90] =	vst v0  }
0x34b: {  	v0 =	vld [tilespmem:$0x1FF00];
	v3 =	vadd.f32 v3, v56  }
0x34c: {  	v58 =	vadd.f32 v18, v57  }
0x34d: {  	[tilespmem:s20+$0xFFFFFFA0] =	vst v3  }
0x34e: {  	[tilespmem:s20+$0xFFFFFFB0] =	vst v58  }
0x34f: {  	v2 =	vld [tilespmem:$0x1FC70]  }
0x350: {  	v0 =	vadd.f32 v29, v0;
	v3 =	vld [tilespmem:$0x1FF20]  }
0x351: {  	v59 =	vadd.f32 v28, v27  }
0x352: {  	[tilespmem:s20+$0xFFFFFFC0] =	vst v0  }
0x353: {  	[tilespmem:s20+$0xFFFFFFD0] =	vst v59  }
0x354: {  	v7 =	vmov v6;
	v6 =	vmov v1;
	v1 =	vld [tilespmem:$0x1FB10]  }
0x355: {  	v2 =	vadd.f32 v2, v3;
	v3 =	vld [tilespmem:$0x1FAB0];
	_ =	sdelay $0x2  }
0x356: {  	[tilespmem:s20+$0xFFFFFFE0] =	vst v2  }
0x357: {  	v2 =	vld [tilespmem:$0x1FB00]  }
0x358: {  	v1 =	vadd.f32 v3, v1;
	v3 =	vld [tilespmem:$0x1FCA0]  }
0x359: {  	v61 =	vadd.f32 v10, v35;
	_ =	sdelay $0x1  }
0x35a: {  	[tilespmem:s20+$0xFFFFFFF0] =	vst v61  }
0x35b: {  	v0 =	vld [tilespmem:$0x1FD50]  }
0x35c: {  	v2 =	vadd.f32 v2, v3;
	v3 =	vld [tilespmem:$0x1FC30];
	_ =	sdelay $0x2  }
0x35d: {  	[tilespmem:s20+$0xFFFFFF00] =	vst v1  }
0x35e: {  	v1 =	vld [tilespmem:$0x1FD60]  }
0x35f: {  	v0 =	vadd.f32 v3, v0;
	v3 =	vld [tilespmem:$0x1FC50];
	_ =	sdelay $0x2  }
0x360: {  	[tilespmem:s20+$0xFFFFFF10] =	vst v2  }
0x361: {  	v2 =	vld [tilespmem:$0x1FE80]  }
0x362: {  	v1 =	vadd.f32 v3, v1  }
0x363: {  	[tilespmem:s20+$0xFFFFFF20] =	vst v0  }
0x364: {  	[tilespmem:s20+$0xFFFFFF30] =	vst v1  }
0x365: {  	v1 =	vld [tilespmem:$0x1FC40]  }
0x366: {  	v2 =	vadd.f32 v15, v2;
	v3 =	vld [tilespmem:$0x1FEE0]  }
0x367: {  	v62 =	vadd.f32 v20, v34  }
0x368: {  	[tilespmem:s20+$0xFFFFFF40] =	vst v2  }
0x369: {  	v2 =	vld [tilespmem:$0x1FEB0];
	[tilespmem:s20+$0xFFFFFF50] =	vst v62  }
0x36a: {  	v0 =	vld [tilespmem:$0x1FAF0]  }
0x36b: {  	v1 =	vadd.f32 v1, v3;
	v3 =	vld [tilespmem:$0x1FA90];
	_ =	sdelay $0x2  }
0x36c: {  	[tilespmem:s20+$0xFFFFFF60] =	vst v1  }
0x36d: {  	v1 =	vld [tilespmem:$0x1FAC0]  }
0x36e: {  	v0 =	vadd.f32 v3, v0;
	v3 =	vld [tilespmem:$0x1FC90]  }
0x36f: {  	v2 =	vadd.f32 v60, v2;
	_ =	sdelay $0x1  }
0x370: {  	[tilespmem:s20+$0xFFFFFF70] =	vst v2  }
0x371: {  	v2 =	vld [tilespmem:$0x1FD20]  }
0x372: {  	v1 =	vadd.f32 v1, v3;
	v3 =	vld [tilespmem:$0x1FBD0];
	_ =	sdelay $0x2  }
0x373: {  	[tilespmem:s20+$0xFFFFFE80] =	vst v0  }
0x374: {  	v0 =	vld [tilespmem:$0x1FD40]  }
0x375: {  	v2 =	vadd.f32 v3, v2;
	v3 =	vld [tilespmem:$0x1FC20];
	_ =	sdelay $0x2  }
0x376: {  	[tilespmem:s20+$0xFFFFFE90] =	vst v1  }
0x377: {  	v1 =	vld [tilespmem:$0x1FC00]  }
0x378: {  	v0 =	vadd.f32 v3, v0;
	v3 =	vld [tilespmem:$0x1FE00];
	_ =	sdelay $0x2  }
0x379: {  	[tilespmem:s20+$0xFFFFFEA0] =	vst v2  }
0x37a: {  	v2 =	vld [tilespmem:$0x1FC10]  }
0x37b: {  	v1 =	vadd.f32 v1, v3;
	v3 =	vld [tilespmem:$0x1FE20];
	_ =	sdelay $0x2  }
0x37c: {  	[tilespmem:s20+$0xFFFFFEB0] =	vst v0  }
0x37d: {  	v0 =	vld [tilespmem:$0x1FBE0]  }
0x37e: {  	v2 =	vadd.f32 v2, v3;
	v3 =	vld [tilespmem:$0x1FE90];
	_ =	sdelay $0x2  }
0x37f: {  	[tilespmem:s20+$0xFFFFFEC0] =	vst v1  }
0x380: {  	v1 =	vld [tilespmem:$0x1FBF0]  }
0x381: {  	v0 =	vadd.f32 v0, v3;
	v3 =	vld [tilespmem:$0x1FE60];
	_ =	sdelay $0x2  }
0x382: {  	[tilespmem:s20+$0xFFFFFED0] =	vst v2  }
0x383: {  	v2 =	vld [tilespmem:$0x1FAD0]  }
0x384: {  	v1 =	vadd.f32 v1, v3;
	v3 =	vld [tilespmem:$0x1FA80];
	_ =	sdelay $0x2  }
0x385: {  	[tilespmem:s20+$0xFFFFFEE0] =	vst v0  }
0x386: {  	v0 =	vld [tilespmem:$0x1FC80]  }
0x387: {  	v2 =	vadd.f32 v3, v2;
	v3 =	vld [tilespmem:$0x1FAA0];
	_ =	sdelay $0x2  }
0x388: {  	[tilespmem:s20+$0xFFFFFEF0] =	vst v1  }
0x389: {  	v1 =	vld [tilespmem:$0x1FCE0]  }
0x38a: {  	v0 =	vadd.f32 v3, v0;
	v3 =	vld [tilespmem:$0x1FB70];
	_ =	sdelay $0x2  }
0x38b: {  	[tilespmem:s20+$0xFFFFFE00] =	vst v2  }
0x38c: {  	v2 =	vld [tilespmem:$0x1FD00]  }
0x38d: {  	v1 =	vadd.f32 v3, v1;
	v3 =	vld [tilespmem:$0x1FBC0];
	_ =	sdelay $0x2  }
0x38e: {  	[tilespmem:s20+$0xFFFFFE10] =	vst v0  }
0x38f: {  	v0 =	vld [tilespmem:$0x1FD90]  }
0x390: {  	v2 =	vadd.f32 v3, v2;
	v3 =	vld [tilespmem:$0x1FBA0];
	_ =	sdelay $0x2  }
0x391: {  	[tilespmem:s20+$0xFFFFFE20] =	vst v1  }
0x392: {  	v1 =	vld [tilespmem:$0x1FDC0]  }
0x393: {  	v0 =	vadd.f32 v3, v0;
	v3 =	vld [tilespmem:$0x1FBB0];
	_ =	sdelay $0x2  }
0x394: {  	[tilespmem:s20+$0xFFFFFE30] =	vst v2  }
0x395: {  	v2 =	vld [tilespmem:$0x1FE40]  }
0x396: {  	v1 =	vadd.f32 v3, v1;
	v3 =	vld [tilespmem:$0x1FB80];
	_ =	sdelay $0x2  }
0x397: {  	[tilespmem:s20+$0xFFFFFE40] =	vst v0  }
0x398: {  	v0 =	vld [tilespmem:$0x1FDE0]  }
0x399: {  	v2 =	vadd.f32 v3, v2;
	v3 =	vld [tilespmem:$0x1FB90];
	_ =	sdelay $0x2  }
.Ltmp4:
0x39a: {  	_ = 	snop;
	(pc) =	sbr.rel @!p0 .LBB2_8-.Ltmp4, $4  }
0x39b: {  	_ = 	snop  }
0x39c: {  	[tilespmem:s20+$0xFFFFFE50] =	vst v1;
	v0 =	vadd.f32 v3, v0  }
0x39d: {  	[tilespmem:s20+$0xFFFFFE60] =	vst v2  }
0x39e: {  	[tilespmem:s20+$0xFFFFFE70] =	vst v0  }
.Ltmp5:
0x39f: {  	(pc) =	sbr.rel .LBB2_4-.Ltmp5, $4  }
0x3a0: {  	v42 =	vld [tilespmem:$0x1F380]  }
0x3a1: {  	v40 =	vmov v6;
	v6 =	vld [tilespmem:$0x1F370]  }
0x3a2: {  	v22 =	vmov v17;
	[hbm4b:s8+s10] =	stream.strided.scatter [tilespmem:s12], [sflag:$0x3], $0x8000, s11, s10, $0x38;
	v43 =	vld [tilespmem:$0x1F360]  }
0x3a3: {  	v55 =	vmovc v19;
	v14 =	vmovc v13;
	v19 =	vmov v16;
	s20 =	simm.s32 $0x1;
	p0 =	por $0x0, $0x0;
	v39 =	vmov v25;
	v32 =	vld [tilespmem:$0x1F350];
	v45 =	vmov v7  }
.LBB2_9:
0x3a4: {  	_ =	sfence.sel $0x180000  }
0x3a5: {  	[bflag:$0x0] =	sbarrier.arrive $0xFFFF  }
0x3a6: {  	p0 =	sne.s32 s0, $0x0;
	_ =	strace $0x90000047  }
0x3a7: {  	s0 =	sadd.s32 @!p0 $0x100000, s2;
	[bflag:$0x2] =	sbarrier.arrive $0xFFFF  }
0x3a8: {  	[sflag:s0] =	ssyncadd.tile.s32 @!p0 $0x1;
	_ =	shalt  }
.Lfunc_end2:
_tile_overlayer_lowered:
.L_overlay_start_2:
0x3a9: {  	(tag) =	ssettag $0x2  }
0x3aa: {  	s0 =	rddreg [dreg:$0x0];
	s2 =	stileid.u32  }
0x3ab: {  	s1 =	rddreg [dreg:$0x1];
	p0 =	sne.s32 s2, $0x0  }
0x3ac: {  	s3 =	rddreg [dreg:$0x2];
	[bflag:$0x3] =	sbarrier.arrive $0xFFFF;
	s2 =	simm.s32 @!p0 $0x1C05  }
0x3ad: {  	[timem:s3], [sflag:s2] =	dma.local @!p0 [hbm:s0], s1  }
0x3ae: {  	s0 =	simm.s32 @!p0 $0x5  }
0x3af: {  	_ =	swait.ge @!p0 [sflag:s0], s1  }
0x3b0: {  	s1 =	ssub.s32 @!p0 $0x0, s1;
	[sflag:s0] =	ssyncset.done @!p0 $0x0  }
0x3b1: {  	[sflag:s0] =	ssyncadd.s32 @!p0 s1  }
0x3b2: {  	[bflag:$0x3] =	sbarrier.arrive $0xFFFF  }
0x3b3: {  	_ =	shalt  }

</sc_bundles>
